<compile_context>
chip_gen: v7x
topology: tpu7x:2x2x1
jax: 0.10.2.dev20260603
libtpu: 0.0.44.dev20260713+nightly
codegen_flags: <defaults>
</compile_context>

<pallas_src>
import numpy as np
import jax
import jax.numpy as jnp
from jax import lax
from jax.experimental import pallas as pl
from jax.experimental.pallas import tpu as pltpu
from jax.experimental.pallas import tpu_sc as plsc
from functools import partial

_U32 = np.uint32


def _np_threefry2x32(k0, k1, x0, x1):
    x0 = np.asarray(x0, _U32).copy()
    x1 = np.asarray(x1, _U32).copy()
    k0 = _U32(k0)
    k1 = _U32(k1)
    k2 = _U32(k0 ^ k1 ^ _U32(0x1BD11BDA))
    kk = [k0, k1, k2]
    rot = [[13, 15, 26, 6], [17, 29, 16, 24]]

    def rotl(x, r):
        return ((x << _U32(r)) | (x >> _U32(32 - r))).astype(_U32)

    x0 = (x0 + k0).astype(_U32)
    x1 = (x1 + k1).astype(_U32)
    for i in range(5):
        for rr in rot[i % 2]:
            x0 = (x0 + x1).astype(_U32)
            x1 = rotl(x1, rr)
            x1 = (x1 ^ x0).astype(_U32)
        x0 = (x0 + kk[(i + 1) % 3]).astype(_U32)
        x1 = (x1 + kk[(i + 2) % 3] + _U32(i + 1)).astype(_U32)
    return x0, x1


def _derive_subkeys(seed):
    a, b = _np_threefry2x32(0, seed, np.zeros(2, _U32), np.arange(2, dtype=_U32))
    return (int(a[0]), int(b[0])), (int(a[1]), int(b[1]))


_KS, _KU = _derive_subkeys(42)

_ROT_A = (13, 15, 26, 6)
_ROT_B = (17, 29, 16, 24)


def _tf20_bits(cnt, k0i, k1i):
    u32 = jnp.uint32
    k2i = (k0i ^ k1i ^ 0x1BD11BDA) & 0xFFFFFFFF
    kk = (k0i, k1i, k2i)
    x0 = jnp.full(cnt.shape, u32(k0i), u32)
    x1 = cnt + u32(k1i)

    def rotl(x, r):
        return (x << u32(r)) | (x >> u32(32 - r))

    for i in range(5):
        rots = _ROT_A if i % 2 == 0 else _ROT_B
        for rr in rots:
            x0 = x0 + x1
            x1 = rotl(x1, rr)
            x1 = x1 ^ x0
        x0 = x0 + u32(kk[(i + 1) % 3])
        x1 = x1 + u32((kk[(i + 2) % 3] + i + 1) & 0xFFFFFFFF)
    return x0 ^ x1


def _bits_to_unit_f32(bits):
    t = (bits >> jnp.uint32(9)).astype(jnp.int32)
    return t.astype(jnp.float32) * jnp.float32(2.0 ** -23)


def _make_u2_sc_kernel(n_elems):
    n_w = 32
    per_w = n_elems // n_w
    lanes = 16
    mesh = plsc.VectorSubcoreMesh(core_axis_name="c", subcore_axis_name="s")

    @partial(pl.kernel, mesh=mesh,
             out_type=jax.ShapeDtypeStruct((n_elems,), jnp.float32),
             scratch_types=[pltpu.VMEM((per_w,), jnp.float32),
                            pltpu.SemaphoreType.DMA])
    def u2_kernel(out_hbm, buf_v, sem):
        wid = lax.axis_index("s") * 2 + lax.axis_index("c")
        base = wid * per_w

        def body(j, _):
            cnt = (lax.iota(jnp.int32, lanes) + (base + j * lanes)
                   ).astype(jnp.uint32)
            bits = _tf20_bits(cnt, _KU[0], _KU[1])
            buf_v[pl.ds(j * lanes, lanes)] = _bits_to_unit_f32(bits)
            return 0

        lax.fori_loop(0, per_w // lanes, body, 0)
        pltpu.sync_copy(buf_v, out_hbm.at[pl.ds(base, per_w)])

    return u2_kernel


def _sample_kernel(pi_ref, mu_ref, u2_ref, samples_ref, mags_ref, logp_ref,
                   *, rows, n_op, n_aug, lanes):
    r0 = pl.program_id(0) * rows
    row = jax.lax.broadcasted_iota(jnp.int32, (rows, lanes), 0) + r0
    cat = jax.lax.broadcasted_iota(jnp.int32, (rows, lanes), 1)
    tiny = jnp.float32(np.finfo(np.float32).tiny)
    mu_row = mu_ref[0:1, :]

    cnt0 = (row * (n_op * n_aug) + cat).astype(jnp.uint32)

    u2_all = u2_ref[...]
    samp_cols = []
    mag_cols = []
    logp_cols = []
    for o in range(n_op):
        pi_row = pi_ref[o:o + 1, :]
        mx = jnp.max(pi_row)
        lse = jnp.log(jnp.sum(jnp.exp(pi_row - mx))) + mx

        cnt = cnt0 + jnp.uint32(o * n_aug)
        bits = _tf20_bits(cnt, _KS[0], _KS[1])
        u = jnp.maximum(_bits_to_unit_f32(bits), tiny)
        tot = -jnp.log(-jnp.log(u)) + pi_row

        m = jnp.max(tot, axis=1, keepdims=True)
        samp = jnp.min(jnp.where(tot == m, cat, jnp.int32(2**30)),
                       axis=1, keepdims=True)
        hit = cat == samp
        zero = jnp.float32(0.0)
        logit_s = jnp.sum(jnp.where(hit, pi_row, zero), axis=1, keepdims=True)
        mu_s = jnp.sum(jnp.where(hit, mu_row, zero), axis=1, keepdims=True)

        high = jax.nn.sigmoid(mu_s)
        logmu = -jnp.log(high)

        samp_cols.append(samp)
        mag_cols.append(u2_all[:, o:o + 1] * high)
        logp_cols.append((logit_s - lse) + logmu)

    samples_ref[...] = jnp.concatenate(samp_cols, axis=1)
    mags_ref[...] = jnp.concatenate(mag_cols, axis=1)
    logp_ref[...] = jnp.concatenate(logp_cols, axis=1)


_B_SIZE = 16384


def _run(pi, mu, b_size):
    n_op, n_aug = pi.shape
    lanes = 1024
    rows = 256
    grid = (b_size // rows,)

    pi_pad = jnp.pad(pi, ((0, 0), (0, lanes - n_aug)),
                     constant_values=-jnp.inf)
    mu_pad = jnp.pad(mu[:, 0], (0, lanes - n_aug))[None, :]

    u2 = _make_u2_sc_kernel(b_size * n_op)().reshape(b_size, n_op)

    out_shapes = (
        jax.ShapeDtypeStruct((b_size, n_op), jnp.int32),
        jax.ShapeDtypeStruct((b_size, n_op), jnp.float32),
        jax.ShapeDtypeStruct((b_size, n_op), jnp.float32),
    )
    out_spec = pl.BlockSpec((rows, n_op), lambda i: (i, 0))
    samples, mags, logp = pl.pallas_call(
        partial(_sample_kernel, rows=rows, n_op=n_op, n_aug=n_aug,
                lanes=lanes),
        grid=grid,
        in_specs=[
            pl.BlockSpec((n_op, lanes), lambda i: (0, 0)),
            pl.BlockSpec((1, lanes), lambda i: (0, 0)),
            pl.BlockSpec((rows, n_op), lambda i: (i, 0)),
        ],
        out_specs=(out_spec, out_spec, out_spec),
        out_shape=out_shapes,
        compiler_params=pltpu.CompilerParams(
            dimension_semantics=("parallel",)),
    )(pi_pad, mu_pad, u2)
    return samples, mags, logp


def kernel(pi, mu, b_size):
    return _run(pi, mu, _B_SIZE)

# --- scband reference (transcript-rebuilt; emitter-appended) ---
"""Pipeline reference for scband-slack-32521492365590 (READ-ONLY COPY).

The authoritative reference and input builder live on the scoring server;
editing this copy changes nothing except your own understanding.
"""

import jax, jax.numpy as jnp
import numpy as np

N_OP = 4
N_AUG = 1000
B_SIZE = 16384


def setup_inputs(seed: int = 0) -> dict:
    key = jax.random.key(seed)
    k1, k2 = jax.random.split(key)
    pi = jax.random.normal(k1, (N_OP, N_AUG), dtype=jnp.float32)
    mu = jax.random.normal(k2, (N_AUG, 1), dtype=jnp.float32)
    return {"pi": pi, "mu": mu, "b_size": B_SIZE}


def reference(pi, mu, b_size):
    # Faithful jax translation of SLACK.sample():
    #   _pi, logpi = Categorical(logits=pi).sample((b_size,)), .log_prob(_pi)
    #   _mu = mu[_pi]; _mu = _mu.transpose(0,2).transpose(1,2)
    #   dmu = SmoothedUniform(high=sigmoid(_mu[0])); m = dmu.sample(); logmu = dmu.log_prob(m)
    #   logp = logpi + logmu  (m_opt=True)
    key = jax.random.key(42)
    ks, ku = jax.random.split(key)
    n_op = pi.shape[0]
    # Categorical with batch shape (n_op,), sample shape (b_size,) -> [b_size, n_op]
    samples = jax.random.categorical(ks, pi, axis=-1, shape=(B_SIZE, n_op))
    b_size_arr = jnp.asarray(b_size)
    samples = samples + (b_size_arr - b_size_arr).astype(samples.dtype)
    log_probs = jax.nn.log_softmax(pi, axis=-1)
    logpi = log_probs[jnp.arange(n_op)[None, :], samples]  # [b_size, n_op]
    # gather magnitudes: mu[_pi] -> [b_size, n_op, n_dmu]
    _mu = jnp.take(mu, samples, axis=0)
    # torch: transpose(0,2) then transpose(1,2) -> [n_dmu, b_size, n_op]
    _mu = jnp.transpose(_mu, (2, 0, 1))
    # SmoothedUniform(high=sigmoid(param)): reparametrized sample u*high, log_prob = -log(high)
    high = jax.nn.sigmoid(_mu[0])  # [b_size, n_op]
    u = jax.random.uniform(ku, high.shape, dtype=high.dtype)
    mags = u * high
    logmu = -jnp.log(high)
    logp = logpi + logmu
    return samples, mags, logp

if __name__ == "__main__":
    import jax
    _d = setup_inputs()
    print(jax.jit(kernel)(*tuple(_d.values())))

</pallas_src>

<mosaic_0001>
#map = affine_map<(d0, d1) -> (0)>
module attributes {stable_mosaic.version = 14 : i64} {
  func.func @u2_kernel(%arg0: i32, %arg1: i32, %arg2: memref<65536xf32, #tpu.memory_space<hbm>>, %arg3: memref<2048xf32, #tpu.memory_space<vmem>>, %arg4: memref<!tpu.dma_semaphore, #tpu.memory_space<semaphore_mem>>) attributes {dimension_semantics = [#tpu.dimension_semantics<core_parallel>, #tpu.dimension_semantics<subcore_parallel>], iteration_bounds = array<i64: 2, 16>, scalar_prefetch = 0 : i64, scratch_operands = 2 : i64, tpu.core_type = #tpu.core_type<sc_vector_subcore>, window_params = [{transform_indices = #map}]} {
    %mul3A = arith.constant 2 : i32
    %mul3A_0 = arith.muli %arg1, %mul3A : i32
    %add3A = arith.addi %mul3A_0, %arg0 : i32
    %mul3A_1 = arith.constant 2048 : i32
    %mul3A_2 = arith.muli %add3A, %mul3A_1 : i32
    %scan3A = arith.constant 0 : i32
    %scan3A_3 = arith.constant 0 : i32
    %scan3A_4 = arith.constant 128 : i32
    %scan3A_5 = arith.addi %scan3A_3, %scan3A_4 : i32
    %scan3A_6 = arith.constant 1 : i32
    %scan3A_7 = scf.for %scan3A_9 = %scan3A_3 to %scan3A_5 step %scan3A_6 iter_args(%scan3A_10 = %scan3A) -> (i32)  : i32 {
      %iota3A = tpu.iota {dimensions = array<i32: 0>} : vector<16xi32>
      %mul3A_11 = arith.constant 16 : i32
      %mul3A_12 = arith.muli %scan3A_9, %mul3A_11 : i32
      %add3A_13 = arith.addi %mul3A_2, %mul3A_12 : i32
      %add3A_14 = vector.broadcast %add3A_13 : i32 to vector<16xi32>
      %add3A_15 = arith.addi %iota3A, %add3A_14 : vector<16xi32>
      %broadcast_in_dim3A = arith.constant 64467757 : i32
      %broadcast_in_dim3A_16 = vector.broadcast %broadcast_in_dim3A : i32 to vector<16xi32>
      %add3A_17 = arith.constant -1378843660 : i32
      %add3A_18 = vector.broadcast %add3A_17 : i32 to vector<16xi32>
      %add3A_19 = arith.addi %add3A_15, %add3A_18 : vector<16xi32>
      %add3A_20 = arith.addi %broadcast_in_dim3A_16, %add3A_19 : vector<16xi32>
      %shift_left3A = arith.constant 13 : i32
      %shift_left3A_21 = vector.broadcast %shift_left3A : i32 to vector<16xi32>
      %shift_left3A_22 = arith.shli %add3A_19, %shift_left3A_21 : vector<16xi32>
      %shift_right_logical3A = arith.constant 19 : i32
      %shift_right_logical3A_23 = vector.broadcast %shift_right_logical3A : i32 to vector<16xi32>
      %shift_right_logical3A_24 = arith.shrui %add3A_19, %shift_right_logical3A_23 : vector<16xi32>
      %or3A = arith.ori %shift_left3A_22, %shift_right_logical3A_24 : vector<16xi32>
      %xor3A = arith.xori %or3A, %add3A_20 : vector<16xi32>
      %add3A_25 = arith.addi %add3A_20, %xor3A : vector<16xi32>
      %shift_left3A_26 = arith.constant 15 : i32
      %shift_left3A_27 = vector.broadcast %shift_left3A_26 : i32 to vector<16xi32>
      %shift_left3A_28 = arith.shli %xor3A, %shift_left3A_27 : vector<16xi32>
      %shift_right_logical3A_29 = arith.constant 17 : i32
      %shift_right_logical3A_30 = vector.broadcast %shift_right_logical3A_29 : i32 to vector<16xi32>
      %shift_right_logical3A_31 = arith.shrui %xor3A, %shift_right_logical3A_30 : vector<16xi32>
      %or3A_32 = arith.ori %shift_left3A_28, %shift_right_logical3A_31 : vector<16xi32>
      %xor3A_33 = arith.xori %or3A_32, %add3A_25 : vector<16xi32>
      %add3A_34 = arith.addi %add3A_25, %xor3A_33 : vector<16xi32>
      %shift_left3A_35 = arith.constant 26 : i32
      %shift_left3A_36 = vector.broadcast %shift_left3A_35 : i32 to vector<16xi32>
      %shift_left3A_37 = arith.shli %xor3A_33, %shift_left3A_36 : vector<16xi32>
      %shift_right_logical3A_38 = arith.constant 6 : i32
      %shift_right_logical3A_39 = vector.broadcast %shift_right_logical3A_38 : i32 to vector<16xi32>
      %shift_right_logical3A_40 = arith.shrui %xor3A_33, %shift_right_logical3A_39 : vector<16xi32>
      %or3A_41 = arith.ori %shift_left3A_37, %shift_right_logical3A_40 : vector<16xi32>
      %xor3A_42 = arith.xori %or3A_41, %add3A_34 : vector<16xi32>
      %add3A_43 = arith.addi %add3A_34, %xor3A_42 : vector<16xi32>
      %shift_left3A_44 = arith.constant 6 : i32
      %shift_left3A_45 = vector.broadcast %shift_left3A_44 : i32 to vector<16xi32>
      %shift_left3A_46 = arith.shli %xor3A_42, %shift_left3A_45 : vector<16xi32>
      %shift_right_logical3A_47 = arith.constant 26 : i32
      %shift_right_logical3A_48 = vector.broadcast %shift_right_logical3A_47 : i32 to vector<16xi32>
      %shift_right_logical3A_49 = arith.shrui %xor3A_42, %shift_right_logical3A_48 : vector<16xi32>
      %or3A_50 = arith.ori %shift_left3A_46, %shift_right_logical3A_49 : vector<16xi32>
      %xor3A_51 = arith.xori %or3A_50, %add3A_43 : vector<16xi32>
      %add3A_52 = arith.constant -1378843660 : i32
      %add3A_53 = vector.broadcast %add3A_52 : i32 to vector<16xi32>
      %add3A_54 = arith.addi %add3A_43, %add3A_53 : vector<16xi32>
      %add3A_55 = arith.constant -1244255484 : i32
      %add3A_56 = vector.broadcast %add3A_55 : i32 to vector<16xi32>
      %add3A_57 = arith.addi %xor3A_51, %add3A_56 : vector<16xi32>
      %add3A_58 = arith.addi %add3A_54, %add3A_57 : vector<16xi32>
      %shift_left3A_59 = arith.constant 17 : i32
      %shift_left3A_60 = vector.broadcast %shift_left3A_59 : i32 to vector<16xi32>
      %shift_left3A_61 = arith.shli %add3A_57, %shift_left3A_60 : vector<16xi32>
      %shift_right_logical3A_62 = arith.constant 15 : i32
      %shift_right_logical3A_63 = vector.broadcast %shift_right_logical3A_62 : i32 to vector<16xi32>
      %shift_right_logical3A_64 = arith.shrui %add3A_57, %shift_right_logical3A_63 : vector<16xi32>
      %or3A_65 = arith.ori %shift_left3A_61, %shift_right_logical3A_64 : vector<16xi32>
      %xor3A_66 = arith.xori %or3A_65, %add3A_58 : vector<16xi32>
      %add3A_67 = arith.addi %add3A_58, %xor3A_66 : vector<16xi32>
      %shift_left3A_68 = arith.constant 29 : i32
      %shift_left3A_69 = vector.broadcast %shift_left3A_68 : i32 to vector<16xi32>
      %shift_left3A_70 = arith.shli %xor3A_66, %shift_left3A_69 : vector<16xi32>
      %shift_right_logical3A_71 = arith.constant 3 : i32
      %shift_right_logical3A_72 = vector.broadcast %shift_right_logical3A_71 : i32 to vector<16xi32>
      %shift_right_logical3A_73 = arith.shrui %xor3A_66, %shift_right_logical3A_72 : vector<16xi32>
      %or3A_74 = arith.ori %shift_left3A_70, %shift_right_logical3A_73 : vector<16xi32>
      %xor3A_75 = arith.xori %or3A_74, %add3A_67 : vector<16xi32>
      %add3A_76 = arith.addi %add3A_67, %xor3A_75 : vector<16xi32>
      %shift_left3A_77 = arith.constant 16 : i32
      %shift_left3A_78 = vector.broadcast %shift_left3A_77 : i32 to vector<16xi32>
      %shift_left3A_79 = arith.shli %xor3A_75, %shift_left3A_78 : vector<16xi32>
      %shift_right_logical3A_80 = arith.constant 16 : i32
      %shift_right_logical3A_81 = vector.broadcast %shift_right_logical3A_80 : i32 to vector<16xi32>
      %shift_right_logical3A_82 = arith.shrui %xor3A_75, %shift_right_logical3A_81 : vector<16xi32>
      %or3A_83 = arith.ori %shift_left3A_79, %shift_right_logical3A_82 : vector<16xi32>
      %xor3A_84 = arith.xori %or3A_83, %add3A_76 : vector<16xi32>
      %add3A_85 = arith.addi %add3A_76, %xor3A_84 : vector<16xi32>
      %shift_left3A_86 = arith.constant 24 : i32
      %shift_left3A_87 = vector.broadcast %shift_left3A_86 : i32 to vector<16xi32>
      %shift_left3A_88 = arith.shli %xor3A_84, %shift_left3A_87 : vector<16xi32>
      %shift_right_logical3A_89 = arith.constant 8 : i32
      %shift_right_logical3A_90 = vector.broadcast %shift_right_logical3A_89 : i32 to vector<16xi32>
      %shift_right_logical3A_91 = arith.shrui %xor3A_84, %shift_right_logical3A_90 : vector<16xi32>
      %or3A_92 = arith.ori %shift_left3A_88, %shift_right_logical3A_91 : vector<16xi32>
      %xor3A_93 = arith.xori %or3A_92, %add3A_85 : vector<16xi32>
      %add3A_94 = arith.constant -1244255485 : i32
      %add3A_95 = vector.broadcast %add3A_94 : i32 to vector<16xi32>
      %add3A_96 = arith.addi %add3A_85, %add3A_95 : vector<16xi32>
      %add3A_97 = arith.constant 64467759 : i32
      %add3A_98 = vector.broadcast %add3A_97 : i32 to vector<16xi32>
      %add3A_99 = arith.addi %xor3A_93, %add3A_98 : vector<16xi32>
      %add3A_100 = arith.addi %add3A_96, %add3A_99 : vector<16xi32>
      %shift_left3A_101 = arith.constant 13 : i32
      %shift_left3A_102 = vector.broadcast %shift_left3A_101 : i32 to vector<16xi32>
      %shift_left3A_103 = arith.shli %add3A_99, %shift_left3A_102 : vector<16xi32>
      %shift_right_logical3A_104 = arith.constant 19 : i32
      %shift_right_logical3A_105 = vector.broadcast %shift_right_logical3A_104 : i32 to vector<16xi32>
      %shift_right_logical3A_106 = arith.shrui %add3A_99, %shift_right_logical3A_105 : vector<16xi32>
      %or3A_107 = arith.ori %shift_left3A_103, %shift_right_logical3A_106 : vector<16xi32>
      %xor3A_108 = arith.xori %or3A_107, %add3A_100 : vector<16xi32>
      %add3A_109 = arith.addi %add3A_100, %xor3A_108 : vector<16xi32>
      %shift_left3A_110 = arith.constant 15 : i32
      %shift_left3A_111 = vector.broadcast %shift_left3A_110 : i32 to vector<16xi32>
      %shift_left3A_112 = arith.shli %xor3A_108, %shift_left3A_111 : vector<16xi32>
      %shift_right_logical3A_113 = arith.constant 17 : i32
      %shift_right_logical3A_114 = vector.broadcast %shift_right_logical3A_113 : i32 to vector<16xi32>
      %shift_right_logical3A_115 = arith.shrui %xor3A_108, %shift_right_logical3A_114 : vector<16xi32>
      %or3A_116 = arith.ori %shift_left3A_112, %shift_right_logical3A_115 : vector<16xi32>
      %xor3A_117 = arith.xori %or3A_116, %add3A_109 : vector<16xi32>
      %add3A_118 = arith.addi %add3A_109, %xor3A_117 : vector<16xi32>
      %shift_left3A_119 = arith.constant 26 : i32
      %shift_left3A_120 = vector.broadcast %shift_left3A_119 : i32 to vector<16xi32>
      %shift_left3A_121 = arith.shli %xor3A_117, %shift_left3A_120 : vector<16xi32>
      %shift_right_logical3A_122 = arith.constant 6 : i32
      %shift_right_logical3A_123 = vector.broadcast %shift_right_logical3A_122 : i32 to vector<16xi32>
      %shift_right_logical3A_124 = arith.shrui %xor3A_117, %shift_right_logical3A_123 : vector<16xi32>
      %or3A_125 = arith.ori %shift_left3A_121, %shift_right_logical3A_124 : vector<16xi32>
      %xor3A_126 = arith.xori %or3A_125, %add3A_118 : vector<16xi32>
      %add3A_127 = arith.addi %add3A_118, %xor3A_126 : vector<16xi32>
      %shift_left3A_128 = arith.constant 6 : i32
      %shift_left3A_129 = vector.broadcast %shift_left3A_128 : i32 to vector<16xi32>
      %shift_left3A_130 = arith.shli %xor3A_126, %shift_left3A_129 : vector<16xi32>
      %shift_right_logical3A_131 = arith.constant 26 : i32
      %shift_right_logical3A_132 = vector.broadcast %shift_right_logical3A_131 : i32 to vector<16xi32>
      %shift_right_logical3A_133 = arith.shrui %xor3A_126, %shift_right_logical3A_132 : vector<16xi32>
      %or3A_134 = arith.ori %shift_left3A_130, %shift_right_logical3A_133 : vector<16xi32>
      %xor3A_135 = arith.xori %or3A_134, %add3A_127 : vector<16xi32>
      %add3A_136 = arith.constant 64467757 : i32
      %add3A_137 = vector.broadcast %add3A_136 : i32 to vector<16xi32>
      %add3A_138 = arith.addi %add3A_127, %add3A_137 : vector<16xi32>
      %add3A_139 = arith.constant -1378843657 : i32
      %add3A_140 = vector.broadcast %add3A_139 : i32 to vector<16xi32>
      %add3A_141 = arith.addi %xor3A_135, %add3A_140 : vector<16xi32>
      %add3A_142 = arith.addi %add3A_138, %add3A_141 : vector<16xi32>
      %shift_left3A_143 = arith.constant 17 : i32
      %shift_left3A_144 = vector.broadcast %shift_left3A_143 : i32 to vector<16xi32>
      %shift_left3A_145 = arith.shli %add3A_141, %shift_left3A_144 : vector<16xi32>
      %shift_right_logical3A_146 = arith.constant 15 : i32
      %shift_right_logical3A_147 = vector.broadcast %shift_right_logical3A_146 : i32 to vector<16xi32>
      %shift_right_logical3A_148 = arith.shrui %add3A_141, %shift_right_logical3A_147 : vector<16xi32>
      %or3A_149 = arith.ori %shift_left3A_145, %shift_right_logical3A_148 : vector<16xi32>
      %xor3A_150 = arith.xori %or3A_149, %add3A_142 : vector<16xi32>
      %add3A_151 = arith.addi %add3A_142, %xor3A_150 : vector<16xi32>
      %shift_left3A_152 = arith.constant 29 : i32
      %shift_left3A_153 = vector.broadcast %shift_left3A_152 : i32 to vector<16xi32>
      %shift_left3A_154 = arith.shli %xor3A_150, %shift_left3A_153 : vector<16xi32>
      %shift_right_logical3A_155 = arith.constant 3 : i32
      %shift_right_logical3A_156 = vector.broadcast %shift_right_logical3A_155 : i32 to vector<16xi32>
      %shift_right_logical3A_157 = arith.shrui %xor3A_150, %shift_right_logical3A_156 : vector<16xi32>
      %or3A_158 = arith.ori %shift_left3A_154, %shift_right_logical3A_157 : vector<16xi32>
      %xor3A_159 = arith.xori %or3A_158, %add3A_151 : vector<16xi32>
      %add3A_160 = arith.addi %add3A_151, %xor3A_159 : vector<16xi32>
      %shift_left3A_161 = arith.constant 16 : i32
      %shift_left3A_162 = vector.broadcast %shift_left3A_161 : i32 to vector<16xi32>
      %shift_left3A_163 = arith.shli %xor3A_159, %shift_left3A_162 : vector<16xi32>
      %shift_right_logical3A_164 = arith.constant 16 : i32
      %shift_right_logical3A_165 = vector.broadcast %shift_right_logical3A_164 : i32 to vector<16xi32>
      %shift_right_logical3A_166 = arith.shrui %xor3A_159, %shift_right_logical3A_165 : vector<16xi32>
      %or3A_167 = arith.ori %shift_left3A_163, %shift_right_logical3A_166 : vector<16xi32>
      %xor3A_168 = arith.xori %or3A_167, %add3A_160 : vector<16xi32>
      %add3A_169 = arith.addi %add3A_160, %xor3A_168 : vector<16xi32>
      %shift_left3A_170 = arith.constant 24 : i32
      %shift_left3A_171 = vector.broadcast %shift_left3A_170 : i32 to vector<16xi32>
      %shift_left3A_172 = arith.shli %xor3A_168, %shift_left3A_171 : vector<16xi32>
      %shift_right_logical3A_173 = arith.constant 8 : i32
      %shift_right_logical3A_174 = vector.broadcast %shift_right_logical3A_173 : i32 to vector<16xi32>
      %shift_right_logical3A_175 = arith.shrui %xor3A_168, %shift_right_logical3A_174 : vector<16xi32>
      %or3A_176 = arith.ori %shift_left3A_172, %shift_right_logical3A_175 : vector<16xi32>
      %xor3A_177 = arith.xori %or3A_176, %add3A_169 : vector<16xi32>
      %add3A_178 = arith.constant -1378843660 : i32
      %add3A_179 = vector.broadcast %add3A_178 : i32 to vector<16xi32>
      %add3A_180 = arith.addi %add3A_169, %add3A_179 : vector<16xi32>
      %add3A_181 = arith.constant -1244255481 : i32
      %add3A_182 = vector.broadcast %add3A_181 : i32 to vector<16xi32>
      %add3A_183 = arith.addi %xor3A_177, %add3A_182 : vector<16xi32>
      %add3A_184 = arith.addi %add3A_180, %add3A_183 : vector<16xi32>
      %shift_left3A_185 = arith.constant 13 : i32
      %shift_left3A_186 = vector.broadcast %shift_left3A_185 : i32 to vector<16xi32>
      %shift_left3A_187 = arith.shli %add3A_183, %shift_left3A_186 : vector<16xi32>
      %shift_right_logical3A_188 = arith.constant 19 : i32
      %shift_right_logical3A_189 = vector.broadcast %shift_right_logical3A_188 : i32 to vector<16xi32>
      %shift_right_logical3A_190 = arith.shrui %add3A_183, %shift_right_logical3A_189 : vector<16xi32>
      %or3A_191 = arith.ori %shift_left3A_187, %shift_right_logical3A_190 : vector<16xi32>
      %xor3A_192 = arith.xori %or3A_191, %add3A_184 : vector<16xi32>
      %add3A_193 = arith.addi %add3A_184, %xor3A_192 : vector<16xi32>
      %shift_left3A_194 = arith.constant 15 : i32
      %shift_left3A_195 = vector.broadcast %shift_left3A_194 : i32 to vector<16xi32>
      %shift_left3A_196 = arith.shli %xor3A_192, %shift_left3A_195 : vector<16xi32>
      %shift_right_logical3A_197 = arith.constant 17 : i32
      %shift_right_logical3A_198 = vector.broadcast %shift_right_logical3A_197 : i32 to vector<16xi32>
      %shift_right_logical3A_199 = arith.shrui %xor3A_192, %shift_right_logical3A_198 : vector<16xi32>
      %or3A_200 = arith.ori %shift_left3A_196, %shift_right_logical3A_199 : vector<16xi32>
      %xor3A_201 = arith.xori %or3A_200, %add3A_193 : vector<16xi32>
      %add3A_202 = arith.addi %add3A_193, %xor3A_201 : vector<16xi32>
      %shift_left3A_203 = arith.constant 26 : i32
      %shift_left3A_204 = vector.broadcast %shift_left3A_203 : i32 to vector<16xi32>
      %shift_left3A_205 = arith.shli %xor3A_201, %shift_left3A_204 : vector<16xi32>
      %shift_right_logical3A_206 = arith.constant 6 : i32
      %shift_right_logical3A_207 = vector.broadcast %shift_right_logical3A_206 : i32 to vector<16xi32>
      %shift_right_logical3A_208 = arith.shrui %xor3A_201, %shift_right_logical3A_207 : vector<16xi32>
      %or3A_209 = arith.ori %shift_left3A_205, %shift_right_logical3A_208 : vector<16xi32>
      %xor3A_210 = arith.xori %or3A_209, %add3A_202 : vector<16xi32>
      %add3A_211 = arith.addi %add3A_202, %xor3A_210 : vector<16xi32>
      %shift_left3A_212 = arith.constant 6 : i32
      %shift_left3A_213 = vector.broadcast %shift_left3A_212 : i32 to vector<16xi32>
      %shift_left3A_214 = arith.shli %xor3A_210, %shift_left3A_213 : vector<16xi32>
      %shift_right_logical3A_215 = arith.constant 26 : i32
      %shift_right_logical3A_216 = vector.broadcast %shift_right_logical3A_215 : i32 to vector<16xi32>
      %shift_right_logical3A_217 = arith.shrui %xor3A_210, %shift_right_logical3A_216 : vector<16xi32>
      %or3A_218 = arith.ori %shift_left3A_214, %shift_right_logical3A_217 : vector<16xi32>
      %xor3A_219 = arith.xori %or3A_218, %add3A_211 : vector<16xi32>
      %add3A_220 = arith.constant -1244255485 : i32
      %add3A_221 = vector.broadcast %add3A_220 : i32 to vector<16xi32>
      %add3A_222 = arith.addi %add3A_211, %add3A_221 : vector<16xi32>
      %add3A_223 = arith.constant 64467762 : i32
      %add3A_224 = vector.broadcast %add3A_223 : i32 to vector<16xi32>
      %add3A_225 = arith.addi %xor3A_219, %add3A_224 : vector<16xi32>
      %xor3A_226 = arith.xori %add3A_222, %add3A_225 : vector<16xi32>
      %shift_right_logical3A_227 = arith.constant 9 : i32
      %shift_right_logical3A_228 = vector.broadcast %shift_right_logical3A_227 : i32 to vector<16xi32>
      %shift_right_logical3A_229 = arith.shrui %xor3A_226, %shift_right_logical3A_228 : vector<16xi32>
      %convert_element_type3A = arith.sitofp %shift_right_logical3A_229 : vector<16xi32> to vector<16xf32>
      %mul3A_230 = arith.constant 1.1920929E-7 : f32
      %mul3A_231 = vector.broadcast %mul3A_230 : f32 to vector<16xf32>
      %mul3A_232 = arith.mulf %convert_element_type3A, %mul3A_231 : vector<16xf32>
      %mul3A_233 = arith.constant 16 : i32
      %mul3A_234 = arith.muli %scan3A_9, %mul3A_233 : i32
      %swap3A = arith.index_cast %mul3A_234 : i32 to index
      %swap3A_235 = tpu.vector_load %arg3[%swap3A] {strides = array<i32>} : memref<2048xf32, #tpu.memory_space<vmem>>, vector<16xf32>,
      %swap3A_236 = vector.shape_cast %swap3A_235 : vector<16xf32> to vector<16xf32>
      %swap3A_237 = vector.shape_cast %mul3A_232 : vector<16xf32> to vector<16xf32>
      tpu.vector_store %arg3[%swap3A], %swap3A_237 {strides = array<i32>} : memref<2048xf32, #tpu.memory_space<vmem>>, vector<16xf32>,
      %scan3A_238 = arith.constant 0 : i32
      scf.yield %scan3A_238 : i32
    }
    %scan3A_8 = arith.constant 128 : i32
    "tpu.region"() ({
      %run_scoped3A = tpu.sem_alloc : memref<!tpu.dma_semaphore, #tpu.memory_space<semaphore_mem>>
      %dma_start3A = tpu.memref_slice %arg2[%mul3A_2] : memref<65536xf32, #tpu.memory_space<hbm>> -> memref<2048xf32, #tpu.memory_space<hbm>>
      %dma_start3A_9 = tpu.memref_slice %arg2[%mul3A_2] : memref<65536xf32, #tpu.memory_space<hbm>> -> memref<2048xf32, #tpu.memory_space<hbm>>
      tpu.enqueue_dma source(%arg3 : memref<2048xf32, #tpu.memory_space<vmem>>) target(%dma_start3A_9 : memref<2048xf32, #tpu.memory_space<hbm>>) target_semaphore(%run_scoped3A : memref<!tpu.dma_semaphore, #tpu.memory_space<semaphore_mem>>)
      %dma_wait3A = tpu.memref_slice %arg2[%mul3A_2] : memref<65536xf32, #tpu.memory_space<hbm>> -> memref<2048xf32, #tpu.memory_space<hbm>>
      %dma_wait3A_10 = tpu.memref_slice %arg2[%mul3A_2] : memref<65536xf32, #tpu.memory_space<hbm>> -> memref<2048xf32, #tpu.memory_space<hbm>>
      tpu.wait_dma2 semaphore(%run_scoped3A : memref<!tpu.dma_semaphore, #tpu.memory_space<semaphore_mem>>) src(%arg3 : memref<2048xf32, #tpu.memory_space<vmem>>) dst(%dma_wait3A_10 : memref<2048xf32, #tpu.memory_space<hbm>>)
      tpu.yield
    }) : () -> ()
    return
  }
}

module attributes {stable_mosaic.version = 14 : i64} {
  func.func @_sample_kernel(%arg0: i32, %arg1: memref<4x1024xf32, #tpu.memory_space<vmem>>, %arg2: memref<1x1024xf32, #tpu.memory_space<vmem>>, %arg3: memref<256x4xf32, #tpu.memory_space<vmem>>, %arg4: memref<256x4xi32, #tpu.memory_space<vmem>>, %arg5: memref<256x4xf32, #tpu.memory_space<vmem>>, %arg6: memref<256x4xf32, #tpu.memory_space<vmem>>) attributes {dimension_semantics = [#tpu.dimension_semantics<parallel>], iteration_bounds = array<i64: 64>, scalar_prefetch = 0 : i64, scratch_operands = 0 : i64, tpu.core_type = #tpu.core_type<tc>, window_params = [{pipeline_mode = #tpu.pipeline_mode<synchronous>, transform_indices = @transform_0, window_bounds = array<i64: 4, 1024>}, {pipeline_mode = #tpu.pipeline_mode<synchronous>, transform_indices = @transform_1, window_bounds = array<i64: 1, 1024>}, {transform_indices = @transform_2, window_bounds = array<i64: 256, 4>}, {transform_indices = @transform_3, window_bounds = array<i64: 256, 4>}, {transform_indices = @transform_4, window_bounds = array<i64: 256, 4>}, {transform_indices = @transform_5, window_bounds = array<i64: 256, 4>}]} {
    %mul3A = arith.constant 256 : i32
    %mul3A_0 = arith.muli %arg0, %mul3A : i32
    %iota3A = tpu.iota {dimensions = array<i32: 0>} : vector<256x1024xi32>
    %add3A = vector.broadcast %mul3A_0 : i32 to vector<256x1024xi32>
    %add3A_1 = arith.addi %iota3A, %add3A : vector<256x1024xi32>
    %iota3A_2 = tpu.iota {dimensions = array<i32: 1>} : vector<256x1024xi32>
    %get3A = arith.constant 0 : index
    %get3A_3 = arith.constant 0 : index
    %get3A_4 = vector.load %arg2[%get3A, %get3A_3] : memref<1x1024xf32, #tpu.memory_space<vmem>>, vector<1x1024xf32>
    %mul3A_5 = arith.constant 4000 : i32
    %mul3A_6 = vector.broadcast %mul3A_5 : i32 to vector<256x1024xi32>
    %mul3A_7 = arith.muli %add3A_1, %mul3A_6 : vector<256x1024xi32>
    %add3A_8 = arith.addi %mul3A_7, %iota3A_2 : vector<256x1024xi32>
    %get3A_9 = arith.constant 0 : index
    %get3A_10 = arith.constant 0 : index
    %get3A_11 = vector.load %arg3[%get3A_9, %get3A_10] : memref<256x4xf32, #tpu.memory_space<vmem>>, vector<256x4xf32>
    %get3A_12 = arith.constant 0 : index
    %get3A_13 = arith.constant 0 : index
    %get3A_14 = vector.load %arg1[%get3A_12, %get3A_13] : memref<4x1024xf32, #tpu.memory_space<vmem>>, vector<1x1024xf32>
    %reduce_max3A = vector.shape_cast %get3A_14 : vector<1x1024xf32> to vector<1x1x1024xf32>
    %reduce_max3A_15 = arith.constant dense<0xFF800000> : vector<1xf32>
    %reduce_max3A_16 = vector.multi_reduction <maximumf>, %reduce_max3A, %reduce_max3A_15 [1, 2] : vector<1x1x1024xf32> to vector<1xf32>
    %reduce_max3A_17 = vector.shape_cast %reduce_max3A_16 : vector<1xf32> to vector<1x1x1xf32>
    %reduce_max3A_18 = vector.extract %reduce_max3A_17[0, 0, 0] : f32 from vector<1x1x1xf32>
    %sub3A = vector.broadcast %reduce_max3A_18 : f32 to vector<1x1024xf32>
    %sub3A_19 = arith.subf %get3A_14, %sub3A : vector<1x1024xf32>
    %exp3A = math.exp %sub3A_19 : vector<1x1024xf32>
    %reduce_sum3A = vector.shape_cast %exp3A : vector<1x1024xf32> to vector<1x1x1024xf32>
    %reduce_sum3A_20 = arith.constant dense<0.000000e+00> : vector<1xf32>
    %reduce_sum3A_21 = vector.multi_reduction <add>, %reduce_sum3A, %reduce_sum3A_20 [1, 2] : vector<1x1x1024xf32> to vector<1xf32>
    %reduce_sum3A_22 = vector.shape_cast %reduce_sum3A_21 : vector<1xf32> to vector<1x1x1xf32>
    %reduce_sum3A_23 = vector.extract %reduce_sum3A_22[0, 0, 0] : f32 from vector<1x1x1xf32>
    %log3A = math.log %reduce_sum3A_23 : f32
    %add3A_24 = arith.addf %log3A, %reduce_max3A_18 : f32
    %add3A_25 = arith.constant 0 : i32
    %add3A_26 = vector.broadcast %add3A_25 : i32 to vector<256x1024xi32>
    %add3A_27 = arith.addi %add3A_8, %add3A_26 : vector<256x1024xi32>
    %broadcast_in_dim3A = arith.constant 1832780943 : i32
    %broadcast_in_dim3A_28 = vector.broadcast %broadcast_in_dim3A : i32 to vector<256x1024xi32>
    %add3A_29 = arith.constant 270669613 : i32
    %add3A_30 = vector.broadcast %add3A_29 : i32 to vector<256x1024xi32>
    %add3A_31 = arith.addi %add3A_27, %add3A_30 : vector<256x1024xi32>
    %add3A_32 = arith.addi %broadcast_in_dim3A_28, %add3A_31 : vector<256x1024xi32>
    %shift_left3A = arith.constant 13 : i32
    %shift_left3A_33 = vector.broadcast %shift_left3A : i32 to vector<256x1024xi32>
    %shift_left3A_34 = arith.shli %add3A_31, %shift_left3A_33 : vector<256x1024xi32>
    %shift_right_logical3A = arith.constant 19 : i32
    %shift_right_logical3A_35 = vector.broadcast %shift_right_logical3A : i32 to vector<256x1024xi32>
    %shift_right_logical3A_36 = arith.shrui %add3A_31, %shift_right_logical3A_35 : vector<256x1024xi32>
    %or3A = arith.ori %shift_left3A_34, %shift_right_logical3A_36 : vector<256x1024xi32>
    %xor3A = arith.xori %or3A, %add3A_32 : vector<256x1024xi32>
    %add3A_37 = arith.addi %add3A_32, %xor3A : vector<256x1024xi32>
    %shift_left3A_38 = arith.constant 15 : i32
    %shift_left3A_39 = vector.broadcast %shift_left3A_38 : i32 to vector<256x1024xi32>
    %shift_left3A_40 = arith.shli %xor3A, %shift_left3A_39 : vector<256x1024xi32>
    %shift_right_logical3A_41 = arith.constant 17 : i32
    %shift_right_logical3A_42 = vector.broadcast %shift_right_logical3A_41 : i32 to vector<256x1024xi32>
    %shift_right_logical3A_43 = arith.shrui %xor3A, %shift_right_logical3A_42 : vector<256x1024xi32>
    %or3A_44 = arith.ori %shift_left3A_40, %shift_right_logical3A_43 : vector<256x1024xi32>
    %xor3A_45 = arith.xori %or3A_44, %add3A_37 : vector<256x1024xi32>
    %add3A_46 = arith.addi %add3A_37, %xor3A_45 : vector<256x1024xi32>
    %shift_left3A_47 = arith.constant 26 : i32
    %shift_left3A_48 = vector.broadcast %shift_left3A_47 : i32 to vector<256x1024xi32>
    %shift_left3A_49 = arith.shli %xor3A_45, %shift_left3A_48 : vector<256x1024xi32>
    %shift_right_logical3A_50 = arith.constant 6 : i32
    %shift_right_logical3A_51 = vector.broadcast %shift_right_logical3A_50 : i32 to vector<256x1024xi32>
    %shift_right_logical3A_52 = arith.shrui %xor3A_45, %shift_right_logical3A_51 : vector<256x1024xi32>
    %or3A_53 = arith.ori %shift_left3A_49, %shift_right_logical3A_52 : vector<256x1024xi32>
    %xor3A_54 = arith.xori %or3A_53, %add3A_46 : vector<256x1024xi32>
    %add3A_55 = arith.addi %add3A_46, %xor3A_54 : vector<256x1024xi32>
    %shift_left3A_56 = arith.constant 6 : i32
    %shift_left3A_57 = vector.broadcast %shift_left3A_56 : i32 to vector<256x1024xi32>
    %shift_left3A_58 = arith.shli %xor3A_54, %shift_left3A_57 : vector<256x1024xi32>
    %shift_right_logical3A_59 = arith.constant 26 : i32
    %shift_right_logical3A_60 = vector.broadcast %shift_right_logical3A_59 : i32 to vector<256x1024xi32>
    %shift_right_logical3A_61 = arith.shrui %xor3A_54, %shift_right_logical3A_60 : vector<256x1024xi32>
    %or3A_62 = arith.ori %shift_left3A_58, %shift_right_logical3A_61 : vector<256x1024xi32>
    %xor3A_63 = arith.xori %or3A_62, %add3A_55 : vector<256x1024xi32>
    %add3A_64 = arith.constant 270669613 : i32
    %add3A_65 = vector.broadcast %add3A_64 : i32 to vector<256x1024xi32>
    %add3A_66 = arith.addi %add3A_55, %add3A_65 : vector<256x1024xi32>
    %add3A_67 = arith.constant 1724713081 : i32
    %add3A_68 = vector.broadcast %add3A_67 : i32 to vector<256x1024xi32>
    %add3A_69 = arith.addi %xor3A_63, %add3A_68 : vector<256x1024xi32>
    %add3A_70 = arith.addi %add3A_66, %add3A_69 : vector<256x1024xi32>
    %shift_left3A_71 = arith.constant 17 : i32
    %shift_left3A_72 = vector.broadcast %shift_left3A_71 : i32 to vector<256x1024xi32>
    %shift_left3A_73 = arith.shli %add3A_69, %shift_left3A_72 : vector<256x1024xi32>
    %shift_right_logical3A_74 = arith.constant 15 : i32
    %shift_right_logical3A_75 = vector.broadcast %shift_right_logical3A_74 : i32 to vector<256x1024xi32>
    %shift_right_logical3A_76 = arith.shrui %add3A_69, %shift_right_logical3A_75 : vector<256x1024xi32>
    %or3A_77 = arith.ori %shift_left3A_73, %shift_right_logical3A_76 : vector<256x1024xi32>
    %xor3A_78 = arith.xori %or3A_77, %add3A_70 : vector<256x1024xi32>
    %add3A_79 = arith.addi %add3A_70, %xor3A_78 : vector<256x1024xi32>
    %shift_left3A_80 = arith.constant 29 : i32
    %shift_left3A_81 = vector.broadcast %shift_left3A_80 : i32 to vector<256x1024xi32>
    %shift_left3A_82 = arith.shli %xor3A_78, %shift_left3A_81 : vector<256x1024xi32>
    %shift_right_logical3A_83 = arith.constant 3 : i32
    %shift_right_logical3A_84 = vector.broadcast %shift_right_logical3A_83 : i32 to vector<256x1024xi32>
    %shift_right_logical3A_85 = arith.shrui %xor3A_78, %shift_right_logical3A_84 : vector<256x1024xi32>
    %or3A_86 = arith.ori %shift_left3A_82, %shift_right_logical3A_85 : vector<256x1024xi32>
    %xor3A_87 = arith.xori %or3A_86, %add3A_79 : vector<256x1024xi32>
    %add3A_88 = arith.addi %add3A_79, %xor3A_87 : vector<256x1024xi32>
    %shift_left3A_89 = arith.constant 16 : i32
    %shift_left3A_90 = vector.broadcast %shift_left3A_89 : i32 to vector<256x1024xi32>
    %shift_left3A_91 = arith.shli %xor3A_87, %shift_left3A_90 : vector<256x1024xi32>
    %shift_right_logical3A_92 = arith.constant 16 : i32
    %shift_right_logical3A_93 = vector.broadcast %shift_right_logical3A_92 : i32 to vector<256x1024xi32>
    %shift_right_logical3A_94 = arith.shrui %xor3A_87, %shift_right_logical3A_93 : vector<256x1024xi32>
    %or3A_95 = arith.ori %shift_left3A_91, %shift_right_logical3A_94 : vector<256x1024xi32>
    %xor3A_96 = arith.xori %or3A_95, %add3A_88 : vector<256x1024xi32>
    %add3A_97 = arith.addi %add3A_88, %xor3A_96 : vector<256x1024xi32>
    %shift_left3A_98 = arith.constant 24 : i32
    %shift_left3A_99 = vector.broadcast %shift_left3A_98 : i32 to vector<256x1024xi32>
    %shift_left3A_100 = arith.shli %xor3A_96, %shift_left3A_99 : vector<256x1024xi32>
    %shift_right_logical3A_101 = arith.constant 8 : i32
    %shift_right_logical3A_102 = vector.broadcast %shift_right_logical3A_101 : i32 to vector<256x1024xi32>
    %shift_right_logical3A_103 = arith.shrui %xor3A_96, %shift_right_logical3A_102 : vector<256x1024xi32>
    %or3A_104 = arith.ori %shift_left3A_100, %shift_right_logical3A_103 : vector<256x1024xi32>
    %xor3A_105 = arith.xori %or3A_104, %add3A_97 : vector<256x1024xi32>
    %add3A_106 = arith.constant 1724713080 : i32
    %add3A_107 = vector.broadcast %add3A_106 : i32 to vector<256x1024xi32>
    %add3A_108 = arith.addi %add3A_97, %add3A_107 : vector<256x1024xi32>
    %add3A_109 = arith.constant 1832780945 : i32
    %add3A_110 = vector.broadcast %add3A_109 : i32 to vector<256x1024xi32>
    %add3A_111 = arith.addi %xor3A_105, %add3A_110 : vector<256x1024xi32>
    %add3A_112 = arith.addi %add3A_108, %add3A_111 : vector<256x1024xi32>
    %shift_left3A_113 = arith.constant 13 : i32
    %shift_left3A_114 = vector.broadcast %shift_left3A_113 : i32 to vector<256x1024xi32>
    %shift_left3A_115 = arith.shli %add3A_111, %shift_left3A_114 : vector<256x1024xi32>
    %shift_right_logical3A_116 = arith.constant 19 : i32
    %shift_right_logical3A_117 = vector.broadcast %shift_right_logical3A_116 : i32 to vector<256x1024xi32>
    %shift_right_logical3A_118 = arith.shrui %add3A_111, %shift_right_logical3A_117 : vector<256x1024xi32>
    %or3A_119 = arith.ori %shift_left3A_115, %shift_right_logical3A_118 : vector<256x1024xi32>
    %xor3A_120 = arith.xori %or3A_119, %add3A_112 : vector<256x1024xi32>
    %add3A_121 = arith.addi %add3A_112, %xor3A_120 : vector<256x1024xi32>
    %shift_left3A_122 = arith.constant 15 : i32
    %shift_left3A_123 = vector.broadcast %shift_left3A_122 : i32 to vector<256x1024xi32>
    %shift_left3A_124 = arith.shli %xor3A_120, %shift_left3A_123 : vector<256x1024xi32>
    %shift_right_logical3A_125 = arith.constant 17 : i32
    %shift_right_logical3A_126 = vector.broadcast %shift_right_logical3A_125 : i32 to vector<256x1024xi32>
    %shift_right_logical3A_127 = arith.shrui %xor3A_120, %shift_right_logical3A_126 : vector<256x1024xi32>
    %or3A_128 = arith.ori %shift_left3A_124, %shift_right_logical3A_127 : vector<256x1024xi32>
    %xor3A_129 = arith.xori %or3A_128, %add3A_121 : vector<256x1024xi32>
    %add3A_130 = arith.addi %add3A_121, %xor3A_129 : vector<256x1024xi32>
    %shift_left3A_131 = arith.constant 26 : i32
    %shift_left3A_132 = vector.broadcast %shift_left3A_131 : i32 to vector<256x1024xi32>
    %shift_left3A_133 = arith.shli %xor3A_129, %shift_left3A_132 : vector<256x1024xi32>
    %shift_right_logical3A_134 = arith.constant 6 : i32
    %shift_right_logical3A_135 = vector.broadcast %shift_right_logical3A_134 : i32 to vector<256x1024xi32>
    %shift_right_logical3A_136 = arith.shrui %xor3A_129, %shift_right_logical3A_135 : vector<256x1024xi32>
    %or3A_137 = arith.ori %shift_left3A_133, %shift_right_logical3A_136 : vector<256x1024xi32>
    %xor3A_138 = arith.xori %or3A_137, %add3A_130 : vector<256x1024xi32>
    %add3A_139 = arith.addi %add3A_130, %xor3A_138 : vector<256x1024xi32>
    %shift_left3A_140 = arith.constant 6 : i32
    %shift_left3A_141 = vector.broadcast %shift_left3A_140 : i32 to vector<256x1024xi32>
    %shift_left3A_142 = arith.shli %xor3A_138, %shift_left3A_141 : vector<256x1024xi32>
    %shift_right_logical3A_143 = arith.constant 26 : i32
    %shift_right_logical3A_144 = vector.broadcast %shift_right_logical3A_143 : i32 to vector<256x1024xi32>
    %shift_right_logical3A_145 = arith.shrui %xor3A_138, %shift_right_logical3A_144 : vector<256x1024xi32>
    %or3A_146 = arith.ori %shift_left3A_142, %shift_right_logical3A_145 : vector<256x1024xi32>
    %xor3A_147 = arith.xori %or3A_146, %add3A_139 : vector<256x1024xi32>
    %add3A_148 = arith.constant 1832780943 : i32
    %add3A_149 = vector.broadcast %add3A_148 : i32 to vector<256x1024xi32>
    %add3A_150 = arith.addi %add3A_139, %add3A_149 : vector<256x1024xi32>
    %add3A_151 = arith.constant 270669616 : i32
    %add3A_152 = vector.broadcast %add3A_151 : i32 to vector<256x1024xi32>
    %add3A_153 = arith.addi %xor3A_147, %add3A_152 : vector<256x1024xi32>
    %add3A_154 = arith.addi %add3A_150, %add3A_153 : vector<256x1024xi32>
    %shift_left3A_155 = arith.constant 17 : i32
    %shift_left3A_156 = vector.broadcast %shift_left3A_155 : i32 to vector<256x1024xi32>
    %shift_left3A_157 = arith.shli %add3A_153, %shift_left3A_156 : vector<256x1024xi32>
    %shift_right_logical3A_158 = arith.constant 15 : i32
    %shift_right_logical3A_159 = vector.broadcast %shift_right_logical3A_158 : i32 to vector<256x1024xi32>
    %shift_right_logical3A_160 = arith.shrui %add3A_153, %shift_right_logical3A_159 : vector<256x1024xi32>
    %or3A_161 = arith.ori %shift_left3A_157, %shift_right_logical3A_160 : vector<256x1024xi32>
    %xor3A_162 = arith.xori %or3A_161, %add3A_154 : vector<256x1024xi32>
    %add3A_163 = arith.addi %add3A_154, %xor3A_162 : vector<256x1024xi32>
    %shift_left3A_164 = arith.constant 29 : i32
    %shift_left3A_165 = vector.broadcast %shift_left3A_164 : i32 to vector<256x1024xi32>
    %shift_left3A_166 = arith.shli %xor3A_162, %shift_left3A_165 : vector<256x1024xi32>
    %shift_right_logical3A_167 = arith.constant 3 : i32
    %shift_right_logical3A_168 = vector.broadcast %shift_right_logical3A_167 : i32 to vector<256x1024xi32>
    %shift_right_logical3A_169 = arith.shrui %xor3A_162, %shift_right_logical3A_168 : vector<256x1024xi32>
    %or3A_170 = arith.ori %shift_left3A_166, %shift_right_logical3A_169 : vector<256x1024xi32>
    %xor3A_171 = arith.xori %or3A_170, %add3A_163 : vector<256x1024xi32>
    %add3A_172 = arith.addi %add3A_163, %xor3A_171 : vector<256x1024xi32>
    %shift_left3A_173 = arith.constant 16 : i32
    %shift_left3A_174 = vector.broadcast %shift_left3A_173 : i32 to vector<256x1024xi32>
    %shift_left3A_175 = arith.shli %xor3A_171, %shift_left3A_174 : vector<256x1024xi32>
    %shift_right_logical3A_176 = arith.constant 16 : i32
    %shift_right_logical3A_177 = vector.broadcast %shift_right_logical3A_176 : i32 to vector<256x1024xi32>
    %shift_right_logical3A_178 = arith.shrui %xor3A_171, %shift_right_logical3A_177 : vector<256x1024xi32>
    %or3A_179 = arith.ori %shift_left3A_175, %shift_right_logical3A_178 : vector<256x1024xi32>
    %xor3A_180 = arith.xori %or3A_179, %add3A_172 : vector<256x1024xi32>
    %add3A_181 = arith.addi %add3A_172, %xor3A_180 : vector<256x1024xi32>
    %shift_left3A_182 = arith.constant 24 : i32
    %shift_left3A_183 = vector.broadcast %shift_left3A_182 : i32 to vector<256x1024xi32>
    %shift_left3A_184 = arith.shli %xor3A_180, %shift_left3A_183 : vector<256x1024xi32>
    %shift_right_logical3A_185 = arith.constant 8 : i32
    %shift_right_logical3A_186 = vector.broadcast %shift_right_logical3A_185 : i32 to vector<256x1024xi32>
    %shift_right_logical3A_187 = arith.shrui %xor3A_180, %shift_right_logical3A_186 : vector<256x1024xi32>
    %or3A_188 = arith.ori %shift_left3A_184, %shift_right_logical3A_187 : vector<256x1024xi32>
    %xor3A_189 = arith.xori %or3A_188, %add3A_181 : vector<256x1024xi32>
    %add3A_190 = arith.constant 270669613 : i32
    %add3A_191 = vector.broadcast %add3A_190 : i32 to vector<256x1024xi32>
    %add3A_192 = arith.addi %add3A_181, %add3A_191 : vector<256x1024xi32>
    %add3A_193 = arith.constant 1724713084 : i32
    %add3A_194 = vector.broadcast %add3A_193 : i32 to vector<256x1024xi32>
    %add3A_195 = arith.addi %xor3A_189, %add3A_194 : vector<256x1024xi32>
    %add3A_196 = arith.addi %add3A_192, %add3A_195 : vector<256x1024xi32>
    %shift_left3A_197 = arith.constant 13 : i32
    %shift_left3A_198 = vector.broadcast %shift_left3A_197 : i32 to vector<256x1024xi32>
    %shift_left3A_199 = arith.shli %add3A_195, %shift_left3A_198 : vector<256x1024xi32>
    %shift_right_logical3A_200 = arith.constant 19 : i32
    %shift_right_logical3A_201 = vector.broadcast %shift_right_logical3A_200 : i32 to vector<256x1024xi32>
    %shift_right_logical3A_202 = arith.shrui %add3A_195, %shift_right_logical3A_201 : vector<256x1024xi32>
    %or3A_203 = arith.ori %shift_left3A_199, %shift_right_logical3A_202 : vector<256x1024xi32>
    %xor3A_204 = arith.xori %or3A_203, %add3A_196 : vector<256x1024xi32>
    %add3A_205 = arith.addi %add3A_196, %xor3A_204 : vector<256x1024xi32>
    %shift_left3A_206 = arith.constant 15 : i32
    %shift_left3A_207 = vector.broadcast %shift_left3A_206 : i32 to vector<256x1024xi32>
    %shift_left3A_208 = arith.shli %xor3A_204, %shift_left3A_207 : vector<256x1024xi32>
    %shift_right_logical3A_209 = arith.constant 17 : i32
    %shift_right_logical3A_210 = vector.broadcast %shift_right_logical3A_209 : i32 to vector<256x1024xi32>
    %shift_right_logical3A_211 = arith.shrui %xor3A_204, %shift_right_logical3A_210 : vector<256x1024xi32>
    %or3A_212 = arith.ori %shift_left3A_208, %shift_right_logical3A_211 : vector<256x1024xi32>
    %xor3A_213 = arith.xori %or3A_212, %add3A_205 : vector<256x1024xi32>
    %add3A_214 = arith.addi %add3A_205, %xor3A_213 : vector<256x1024xi32>
    %shift_left3A_215 = arith.constant 26 : i32
    %shift_left3A_216 = vector.broadcast %shift_left3A_215 : i32 to vector<256x1024xi32>
    %shift_left3A_217 = arith.shli %xor3A_213, %shift_left3A_216 : vector<256x1024xi32>
    %shift_right_logical3A_218 = arith.constant 6 : i32
    %shift_right_logical3A_219 = vector.broadcast %shift_right_logical3A_218 : i32 to vector<256x1024xi32>
    %shift_right_logical3A_220 = arith.shrui %xor3A_213, %shift_right_logical3A_219 : vector<256x1024xi32>
    %or3A_221 = arith.ori %shift_left3A_217, %shift_right_logical3A_220 : vector<256x1024xi32>
    %xor3A_222 = arith.xori %or3A_221, %add3A_214 : vector<256x1024xi32>
    %add3A_223 = arith.addi %add3A_214, %xor3A_222 : vector<256x1024xi32>
    %shift_left3A_224 = arith.constant 6 : i32
    %shift_left3A_225 = vector.broadcast %shift_left3A_224 : i32 to vector<256x1024xi32>
    %shift_left3A_226 = arith.shli %xor3A_222, %shift_left3A_225 : vector<256x1024xi32>
    %shift_right_logical3A_227 = arith.constant 26 : i32
    %shift_right_logical3A_228 = vector.broadcast %shift_right_logical3A_227 : i32 to vector<256x1024xi32>
    %shift_right_logical3A_229 = arith.shrui %xor3A_222, %shift_right_logical3A_228 : vector<256x1024xi32>
    %or3A_230 = arith.ori %shift_left3A_226, %shift_right_logical3A_229 : vector<256x1024xi32>
    %xor3A_231 = arith.xori %or3A_230, %add3A_223 : vector<256x1024xi32>
    %add3A_232 = arith.constant 1724713080 : i32
    %add3A_233 = vector.broadcast %add3A_232 : i32 to vector<256x1024xi32>
    %add3A_234 = arith.addi %add3A_223, %add3A_233 : vector<256x1024xi32>
    %add3A_235 = arith.constant 1832780948 : i32
    %add3A_236 = vector.broadcast %add3A_235 : i32 to vector<256x1024xi32>
    %add3A_237 = arith.addi %xor3A_231, %add3A_236 : vector<256x1024xi32>
    %xor3A_238 = arith.xori %add3A_234, %add3A_237 : vector<256x1024xi32>
    %shift_right_logical3A_239 = arith.constant 9 : i32
    %shift_right_logical3A_240 = vector.broadcast %shift_right_logical3A_239 : i32 to vector<256x1024xi32>
    %shift_right_logical3A_241 = arith.shrui %xor3A_238, %shift_right_logical3A_240 : vector<256x1024xi32>
    %convert_element_type3A = arith.sitofp %shift_right_logical3A_241 : vector<256x1024xi32> to vector<256x1024xf32>
    %mul3A_242 = arith.constant 1.1920929E-7 : f32
    %mul3A_243 = vector.broadcast %mul3A_242 : f32 to vector<256x1024xf32>
    %mul3A_244 = arith.mulf %convert_element_type3A, %mul3A_243 : vector<256x1024xf32>
    %max3A = arith.constant 1.17549435E-38 : f32
    %max3A_245 = vector.broadcast %max3A : f32 to vector<256x1024xf32>
    %max3A_246 = arith.maximumf %mul3A_244, %max3A_245 : vector<256x1024xf32>
    %log3A_247 = math.log %max3A_246 : vector<256x1024xf32>
    %neg3A = arith.constant 0.000000e+00 : f32
    %neg3A_248 = vector.broadcast %neg3A : f32 to vector<256x1024xf32>
    %neg3A_249 = arith.subf %neg3A_248, %log3A_247 : vector<256x1024xf32>
    %log3A_250 = math.log %neg3A_249 : vector<256x1024xf32>
    %neg3A_251 = arith.constant 0.000000e+00 : f32
    %neg3A_252 = vector.broadcast %neg3A_251 : f32 to vector<256x1024xf32>
    %neg3A_253 = arith.subf %neg3A_252, %log3A_250 : vector<256x1024xf32>
    %add3A_254 = vector.broadcast %get3A_14 : vector<1x1024xf32> to vector<256x1024xf32>
    %add3A_255 = arith.addf %neg3A_253, %add3A_254 : vector<256x1024xf32>
    %reduce_max3A_256 = arith.constant dense<0xFF800000> : vector<256xf32>
    %reduce_max3A_257 = vector.multi_reduction <maximumf>, %add3A_255, %reduce_max3A_256 [1] : vector<256x1024xf32> to vector<256xf32>
    %broadcast_in_dim3A_258 = vector.shape_cast %reduce_max3A_257 : vector<256xf32> to vector<256x1xf32>
    %eq3A = vector.broadcast %broadcast_in_dim3A_258 : vector<256x1xf32> to vector<256x1024xf32>
    %eq3A_259 = arith.cmpf oeq, %add3A_255, %eq3A : vector<256x1024xf32>
    %jit3A = arith.constant 1073741824 : i32
    %broadcast_in_dim3A_260 = vector.broadcast %jit3A : i32 to vector<256x1024xi32>
    %select_n3A = arith.select %eq3A_259, %iota3A_2, %broadcast_in_dim3A_260 : vector<256x1024xi1>, vector<256x1024xi32>
    %reduce_min3A = arith.constant dense<2147483647> : vector<256xi32>
    %reduce_min3A_261 = vector.multi_reduction <minsi>, %select_n3A, %reduce_min3A [1] : vector<256x1024xi32> to vector<256xi32>
    %broadcast_in_dim3A_262 = vector.shape_cast %reduce_min3A_261 : vector<256xi32> to vector<256x1xi32>
    %eq3A_263 = vector.broadcast %broadcast_in_dim3A_262 : vector<256x1xi32> to vector<256x1024xi32>
    %eq3A_264 = arith.cmpi eq, %iota3A_2, %eq3A_263 : vector<256x1024xi32>
    %jit3A_265 = arith.constant 0.000000e+00 : f32
    %broadcast_in_dim3A_266 = vector.shape_cast %get3A_14 : vector<1x1024xf32> to vector<1x1024xf32>
    %broadcast_in_dim3A_267 = vector.broadcast %broadcast_in_dim3A_266 : vector<1x1024xf32> to vector<256x1024xf32>
    %broadcast_in_dim3A_268 = vector.broadcast %jit3A_265 : f32 to vector<256x1024xf32>
    %select_n3A_269 = arith.select %eq3A_264, %broadcast_in_dim3A_267, %broadcast_in_dim3A_268 : vector<256x1024xi1>, vector<256x1024xf32>
    %reduce_sum3A_270 = arith.constant dense<0.000000e+00> : vector<256xf32>
    %reduce_sum3A_271 = vector.multi_reduction <add>, %select_n3A_269, %reduce_sum3A_270 [1] : vector<256x1024xf32> to vector<256xf32>
    %broadcast_in_dim3A_272 = vector.shape_cast %reduce_sum3A_271 : vector<256xf32> to vector<256x1xf32>
    %jit3A_273 = arith.constant 0.000000e+00 : f32
    %broadcast_in_dim3A_274 = vector.shape_cast %get3A_4 : vector<1x1024xf32> to vector<1x1024xf32>
    %broadcast_in_dim3A_275 = vector.broadcast %broadcast_in_dim3A_274 : vector<1x1024xf32> to vector<256x1024xf32>
    %broadcast_in_dim3A_276 = vector.broadcast %jit3A_273 : f32 to vector<256x1024xf32>
    %select_n3A_277 = arith.select %eq3A_264, %broadcast_in_dim3A_275, %broadcast_in_dim3A_276 : vector<256x1024xi1>, vector<256x1024xf32>
    %reduce_sum3A_278 = arith.constant dense<0.000000e+00> : vector<256xf32>
    %reduce_sum3A_279 = vector.multi_reduction <add>, %select_n3A_277, %reduce_sum3A_278 [1] : vector<256x1024xf32> to vector<256xf32>
    %broadcast_in_dim3A_280 = vector.shape_cast %reduce_sum3A_279 : vector<256xf32> to vector<256x1xf32>
    %logistic3A = arith.negf %broadcast_in_dim3A_280 : vector<256x1xf32>
    %logistic3A_281 = math.exp %logistic3A : vector<256x1xf32>
    %logistic3A_282 = arith.constant 1.000000e+00 : f32
    %logistic3A_283 = vector.broadcast %logistic3A_282 : f32 to vector<256x1xf32>
    %logistic3A_284 = arith.addf %logistic3A_283, %logistic3A_281 : vector<256x1xf32>
    %logistic3A_285 = arith.divf %logistic3A_283, %logistic3A_284 : vector<256x1xf32>
    %log3A_286 = math.log %logistic3A_285 : vector<256x1xf32>
    %neg3A_287 = arith.constant 0.000000e+00 : f32
    %neg3A_288 = vector.broadcast %neg3A_287 : f32 to vector<256x1xf32>
    %neg3A_289 = arith.subf %neg3A_288, %log3A_286 : vector<256x1xf32>
    %slice3A = vector.extract_strided_slice %get3A_11 {offsets = [0, 0], sizes = [256, 1], strides = [1, 1]} : vector<256x4xf32> to vector<256x1xf32>
    %mul3A_290 = arith.mulf %slice3A, %logistic3A_285 : vector<256x1xf32>
    %sub3A_291 = vector.broadcast %add3A_24 : f32 to vector<256x1xf32>
    %sub3A_292 = arith.subf %broadcast_in_dim3A_272, %sub3A_291 : vector<256x1xf32>
    %add3A_293 = arith.addf %sub3A_292, %neg3A_289 : vector<256x1xf32>
    %get3A_294 = arith.constant 1 : index
    %get3A_295 = arith.constant 0 : index
    %get3A_296 = vector.load %arg1[%get3A_294, %get3A_295] : memref<4x1024xf32, #tpu.memory_space<vmem>>, vector<1x1024xf32>
    %reduce_max3A_297 = vector.shape_cast %get3A_296 : vector<1x1024xf32> to vector<1x1x1024xf32>
    %reduce_max3A_298 = arith.constant dense<0xFF800000> : vector<1xf32>
    %reduce_max3A_299 = vector.multi_reduction <maximumf>, %reduce_max3A_297, %reduce_max3A_298 [1, 2] : vector<1x1x1024xf32> to vector<1xf32>
    %reduce_max3A_300 = vector.shape_cast %reduce_max3A_299 : vector<1xf32> to vector<1x1x1xf32>
    %reduce_max3A_301 = vector.extract %reduce_max3A_300[0, 0, 0] : f32 from vector<1x1x1xf32>
    %sub3A_302 = vector.broadcast %reduce_max3A_301 : f32 to vector<1x1024xf32>
    %sub3A_303 = arith.subf %get3A_296, %sub3A_302 : vector<1x1024xf32>
    %exp3A_304 = math.exp %sub3A_303 : vector<1x1024xf32>
    %reduce_sum3A_305 = vector.shape_cast %exp3A_304 : vector<1x1024xf32> to vector<1x1x1024xf32>
    %reduce_sum3A_306 = arith.constant dense<0.000000e+00> : vector<1xf32>
    %reduce_sum3A_307 = vector.multi_reduction <add>, %reduce_sum3A_305, %reduce_sum3A_306 [1, 2] : vector<1x1x1024xf32> to vector<1xf32>
    %reduce_sum3A_308 = vector.shape_cast %reduce_sum3A_307 : vector<1xf32> to vector<1x1x1xf32>
    %reduce_sum3A_309 = vector.extract %reduce_sum3A_308[0, 0, 0] : f32 from vector<1x1x1xf32>
    %log3A_310 = math.log %reduce_sum3A_309 : f32
    %add3A_311 = arith.addf %log3A_310, %reduce_max3A_301 : f32
    %add3A_312 = arith.constant 1000 : i32
    %add3A_313 = vector.broadcast %add3A_312 : i32 to vector<256x1024xi32>
    %add3A_314 = arith.addi %add3A_8, %add3A_313 : vector<256x1024xi32>
    %broadcast_in_dim3A_315 = arith.constant 1832780943 : i32
    %broadcast_in_dim3A_316 = vector.broadcast %broadcast_in_dim3A_315 : i32 to vector<256x1024xi32>
    %add3A_317 = arith.constant 270669613 : i32
    %add3A_318 = vector.broadcast %add3A_317 : i32 to vector<256x1024xi32>
    %add3A_319 = arith.addi %add3A_314, %add3A_318 : vector<256x1024xi32>
    %add3A_320 = arith.addi %broadcast_in_dim3A_316, %add3A_319 : vector<256x1024xi32>
    %shift_left3A_321 = arith.constant 13 : i32
    %shift_left3A_322 = vector.broadcast %shift_left3A_321 : i32 to vector<256x1024xi32>
    %shift_left3A_323 = arith.shli %add3A_319, %shift_left3A_322 : vector<256x1024xi32>
    %shift_right_logical3A_324 = arith.constant 19 : i32
    %shift_right_logical3A_325 = vector.broadcast %shift_right_logical3A_324 : i32 to vector<256x1024xi32>
    %shift_right_logical3A_326 = arith.shrui %add3A_319, %shift_right_logical3A_325 : vector<256x1024xi32>
    %or3A_327 = arith.ori %shift_left3A_323, %shift_right_logical3A_326 : vector<256x1024xi32>
    %xor3A_328 = arith.xori %or3A_327, %add3A_320 : vector<256x1024xi32>
    %add3A_329 = arith.addi %add3A_320, %xor3A_328 : vector<256x1024xi32>
    %shift_left3A_330 = arith.constant 15 : i32
    %shift_left3A_331 = vector.broadcast %shift_left3A_330 : i32 to vector<256x1024xi32>
    %shift_left3A_332 = arith.shli %xor3A_328, %shift_left3A_331 : vector<256x1024xi32>
    %shift_right_logical3A_333 = arith.constant 17 : i32
    %shift_right_logical3A_334 = vector.broadcast %shift_right_logical3A_333 : i32 to vector<256x1024xi32>
    %shift_right_logical3A_335 = arith.shrui %xor3A_328, %shift_right_logical3A_334 : vector<256x1024xi32>
    %or3A_336 = arith.ori %shift_left3A_332, %shift_right_logical3A_335 : vector<256x1024xi32>
    %xor3A_337 = arith.xori %or3A_336, %add3A_329 : vector<256x1024xi32>
    %add3A_338 = arith.addi %add3A_329, %xor3A_337 : vector<256x1024xi32>
    %shift_left3A_339 = arith.constant 26 : i32
    %shift_left3A_340 = vector.broadcast %shift_left3A_339 : i32 to vector<256x1024xi32>
    %shift_left3A_341 = arith.shli %xor3A_337, %shift_left3A_340 : vector<256x1024xi32>
    %shift_right_logical3A_342 = arith.constant 6 : i32
    %shift_right_logical3A_343 = vector.broadcast %shift_right_logical3A_342 : i32 to vector<256x1024xi32>
    %shift_right_logical3A_344 = arith.shrui %xor3A_337, %shift_right_logical3A_343 : vector<256x1024xi32>
    %or3A_345 = arith.ori %shift_left3A_341, %shift_right_logical3A_344 : vector<256x1024xi32>
    %xor3A_346 = arith.xori %or3A_345, %add3A_338 : vector<256x1024xi32>
    %add3A_347 = arith.addi %add3A_338, %xor3A_346 : vector<256x1024xi32>
    %shift_left3A_348 = arith.constant 6 : i32
    %shift_left3A_349 = vector.broadcast %shift_left3A_348 : i32 to vector<256x1024xi32>
    %shift_left3A_350 = arith.shli %xor3A_346, %shift_left3A_349 : vector<256x1024xi32>
    %shift_right_logical3A_351 = arith.constant 26 : i32
    %shift_right_logical3A_352 = vector.broadcast %shift_right_logical3A_351 : i32 to vector<256x1024xi32>
    %shift_right_logical3A_353 = arith.shrui %xor3A_346, %shift_right_logical3A_352 : vector<256x1024xi32>
    %or3A_354 = arith.ori %shift_left3A_350, %shift_right_logical3A_353 : vector<256x1024xi32>
    %xor3A_355 = arith.xori %or3A_354, %add3A_347 : vector<256x1024xi32>
    %add3A_356 = arith.constant 270669613 : i32
    %add3A_357 = vector.broadcast %add3A_356 : i32 to vector<256x1024xi32>
    %add3A_358 = arith.addi %add3A_347, %add3A_357 : vector<256x1024xi32>
    %add3A_359 = arith.constant 1724713081 : i32
    %add3A_360 = vector.broadcast %add3A_359 : i32 to vector<256x1024xi32>
    %add3A_361 = arith.addi %xor3A_355, %add3A_360 : vector<256x1024xi32>
    %add3A_362 = arith.addi %add3A_358, %add3A_361 : vector<256x1024xi32>
    %shift_left3A_363 = arith.constant 17 : i32
    %shift_left3A_364 = vector.broadcast %shift_left3A_363 : i32 to vector<256x1024xi32>
    %shift_left3A_365 = arith.shli %add3A_361, %shift_left3A_364 : vector<256x1024xi32>
    %shift_right_logical3A_366 = arith.constant 15 : i32
    %shift_right_logical3A_367 = vector.broadcast %shift_right_logical3A_366 : i32 to vector<256x1024xi32>
    %shift_right_logical3A_368 = arith.shrui %add3A_361, %shift_right_logical3A_367 : vector<256x1024xi32>
    %or3A_369 = arith.ori %shift_left3A_365, %shift_right_logical3A_368 : vector<256x1024xi32>
    %xor3A_370 = arith.xori %or3A_369, %add3A_362 : vector<256x1024xi32>
    %add3A_371 = arith.addi %add3A_362, %xor3A_370 : vector<256x1024xi32>
    %shift_left3A_372 = arith.constant 29 : i32
    %shift_left3A_373 = vector.broadcast %shift_left3A_372 : i32 to vector<256x1024xi32>
    %shift_left3A_374 = arith.shli %xor3A_370, %shift_left3A_373 : vector<256x1024xi32>
    %shift_right_logical3A_375 = arith.constant 3 : i32
    %shift_right_logical3A_376 = vector.broadcast %shift_right_logical3A_375 : i32 to vector<256x1024xi32>
    %shift_right_logical3A_377 = arith.shrui %xor3A_370, %shift_right_logical3A_376 : vector<256x1024xi32>
    %or3A_378 = arith.ori %shift_left3A_374, %shift_right_logical3A_377 : vector<256x1024xi32>
    %xor3A_379 = arith.xori %or3A_378, %add3A_371 : vector<256x1024xi32>
    %add3A_380 = arith.addi %add3A_371, %xor3A_379 : vector<256x1024xi32>
    %shift_left3A_381 = arith.constant 16 : i32
    %shift_left3A_382 = vector.broadcast %shift_left3A_381 : i32 to vector<256x1024xi32>
    %shift_left3A_383 = arith.shli %xor3A_379, %shift_left3A_382 : vector<256x1024xi32>
    %shift_right_logical3A_384 = arith.constant 16 : i32
    %shift_right_logical3A_385 = vector.broadcast %shift_right_logical3A_384 : i32 to vector<256x1024xi32>
    %shift_right_logical3A_386 = arith.shrui %xor3A_379, %shift_right_logical3A_385 : vector<256x1024xi32>
    %or3A_387 = arith.ori %shift_left3A_383, %shift_right_logical3A_386 : vector<256x1024xi32>
    %xor3A_388 = arith.xori %or3A_387, %add3A_380 : vector<256x1024xi32>
    %add3A_389 = arith.addi %add3A_380, %xor3A_388 : vector<256x1024xi32>
    %shift_left3A_390 = arith.constant 24 : i32
    %shift_left3A_391 = vector.broadcast %shift_left3A_390 : i32 to vector<256x1024xi32>
    %shift_left3A_392 = arith.shli %xor3A_388, %shift_left3A_391 : vector<256x1024xi32>
    %shift_right_logical3A_393 = arith.constant 8 : i32
    %shift_right_logical3A_394 = vector.broadcast %shift_right_logical3A_393 : i32 to vector<256x1024xi32>
    %shift_right_logical3A_395 = arith.shrui %xor3A_388, %shift_right_logical3A_394 : vector<256x1024xi32>
    %or3A_396 = arith.ori %shift_left3A_392, %shift_right_logical3A_395 : vector<256x1024xi32>
    %xor3A_397 = arith.xori %or3A_396, %add3A_389 : vector<256x1024xi32>
    %add3A_398 = arith.constant 1724713080 : i32
    %add3A_399 = vector.broadcast %add3A_398 : i32 to vector<256x1024xi32>
    %add3A_400 = arith.addi %add3A_389, %add3A_399 : vector<256x1024xi32>
    %add3A_401 = arith.constant 1832780945 : i32
    %add3A_402 = vector.broadcast %add3A_401 : i32 to vector<256x1024xi32>
    %add3A_403 = arith.addi %xor3A_397, %add3A_402 : vector<256x1024xi32>
    %add3A_404 = arith.addi %add3A_400, %add3A_403 : vector<256x1024xi32>
    %shift_left3A_405 = arith.constant 13 : i32
    %shift_left3A_406 = vector.broadcast %shift_left3A_405 : i32 to vector<256x1024xi32>
    %shift_left3A_407 = arith.shli %add3A_403, %shift_left3A_406 : vector<256x1024xi32>
    %shift_right_logical3A_408 = arith.constant 19 : i32
    %shift_right_logical3A_409 = vector.broadcast %shift_right_logical3A_408 : i32 to vector<256x1024xi32>
    %shift_right_logical3A_410 = arith.shrui %add3A_403, %shift_right_logical3A_409 : vector<256x1024xi32>
    %or3A_411 = arith.ori %shift_left3A_407, %shift_right_logical3A_410 : vector<256x1024xi32>
    %xor3A_412 = arith.xori %or3A_411, %add3A_404 : vector<256x1024xi32>
    %add3A_413 = arith.addi %add3A_404, %xor3A_412 : vector<256x1024xi32>
    %shift_left3A_414 = arith.constant 15 : i32
    %shift_left3A_415 = vector.broadcast %shift_left3A_414 : i32 to vector<256x1024xi32>
    %shift_left3A_416 = arith.shli %xor3A_412, %shift_left3A_415 : vector<256x1024xi32>
    %shift_right_logical3A_417 = arith.constant 17 : i32
    %shift_right_logical3A_418 = vector.broadcast %shift_right_logical3A_417 : i32 to vector<256x1024xi32>
    %shift_right_logical3A_419 = arith.shrui %xor3A_412, %shift_right_logical3A_418 : vector<256x1024xi32>
    %or3A_420 = arith.ori %shift_left3A_416, %shift_right_logical3A_419 : vector<256x1024xi32>
    %xor3A_421 = arith.xori %or3A_420, %add3A_413 : vector<256x1024xi32>
    %add3A_422 = arith.addi %add3A_413, %xor3A_421 : vector<256x1024xi32>
    %shift_left3A_423 = arith.constant 26 : i32
    %shift_left3A_424 = vector.broadcast %shift_left3A_423 : i32 to vector<256x1024xi32>
    %shift_left3A_425 = arith.shli %xor3A_421, %shift_left3A_424 : vector<256x1024xi32>
    %shift_right_logical3A_426 = arith.constant 6 : i32
    %shift_right_logical3A_427 = vector.broadcast %shift_right_logical3A_426 : i32 to vector<256x1024xi32>
    %shift_right_logical3A_428 = arith.shrui %xor3A_421, %shift_right_logical3A_427 : vector<256x1024xi32>
    %or3A_429 = arith.ori %shift_left3A_425, %shift_right_logical3A_428 : vector<256x1024xi32>
    %xor3A_430 = arith.xori %or3A_429, %add3A_422 : vector<256x1024xi32>
    %add3A_431 = arith.addi %add3A_422, %xor3A_430 : vector<256x1024xi32>
    %shift_left3A_432 = arith.constant 6 : i32
    %shift_left3A_433 = vector.broadcast %shift_left3A_432 : i32 to vector<256x1024xi32>
    %shift_left3A_434 = arith.shli %xor3A_430, %shift_left3A_433 : vector<256x1024xi32>
    %shift_right_logical3A_435 = arith.constant 26 : i32
    %shift_right_logical3A_436 = vector.broadcast %shift_right_logical3A_435 : i32 to vector<256x1024xi32>
    %shift_right_logical3A_437 = arith.shrui %xor3A_430, %shift_right_logical3A_436 : vector<256x1024xi32>
    %or3A_438 = arith.ori %shift_left3A_434, %shift_right_logical3A_437 : vector<256x1024xi32>
    %xor3A_439 = arith.xori %or3A_438, %add3A_431 : vector<256x1024xi32>
    %add3A_440 = arith.constant 1832780943 : i32
    %add3A_441 = vector.broadcast %add3A_440 : i32 to vector<256x1024xi32>
    %add3A_442 = arith.addi %add3A_431, %add3A_441 : vector<256x1024xi32>
    %add3A_443 = arith.constant 270669616 : i32
    %add3A_444 = vector.broadcast %add3A_443 : i32 to vector<256x1024xi32>
    %add3A_445 = arith.addi %xor3A_439, %add3A_444 : vector<256x1024xi32>
    %add3A_446 = arith.addi %add3A_442, %add3A_445 : vector<256x1024xi32>
    %shift_left3A_447 = arith.constant 17 : i32
    %shift_left3A_448 = vector.broadcast %shift_left3A_447 : i32 to vector<256x1024xi32>
    %shift_left3A_449 = arith.shli %add3A_445, %shift_left3A_448 : vector<256x1024xi32>
    %shift_right_logical3A_450 = arith.constant 15 : i32
    %shift_right_logical3A_451 = vector.broadcast %shift_right_logical3A_450 : i32 to vector<256x1024xi32>
    %shift_right_logical3A_452 = arith.shrui %add3A_445, %shift_right_logical3A_451 : vector<256x1024xi32>
    %or3A_453 = arith.ori %shift_left3A_449, %shift_right_logical3A_452 : vector<256x1024xi32>
    %xor3A_454 = arith.xori %or3A_453, %add3A_446 : vector<256x1024xi32>
    %add3A_455 = arith.addi %add3A_446, %xor3A_454 : vector<256x1024xi32>
    %shift_left3A_456 = arith.constant 29 : i32
    %shift_left3A_457 = vector.broadcast %shift_left3A_456 : i32 to vector<256x1024xi32>
    %shift_left3A_458 = arith.shli %xor3A_454, %shift_left3A_457 : vector<256x1024xi32>
    %shift_right_logical3A_459 = arith.constant 3 : i32
    %shift_right_logical3A_460 = vector.broadcast %shift_right_logical3A_459 : i32 to vector<256x1024xi32>
    %shift_right_logical3A_461 = arith.shrui %xor3A_454, %shift_right_logical3A_460 : vector<256x1024xi32>
    %or3A_462 = arith.ori %shift_left3A_458, %shift_right_logical3A_461 : vector<256x1024xi32>
    %xor3A_463 = arith.xori %or3A_462, %add3A_455 : vector<256x1024xi32>
    %add3A_464 = arith.addi %add3A_455, %xor3A_463 : vector<256x1024xi32>
    %shift_left3A_465 = arith.constant 16 : i32
    %shift_left3A_466 = vector.broadcast %shift_left3A_465 : i32 to vector<256x1024xi32>
    %shift_left3A_467 = arith.shli %xor3A_463, %shift_left3A_466 : vector<256x1024xi32>
    %shift_right_logical3A_468 = arith.constant 16 : i32
    %shift_right_logical3A_469 = vector.broadcast %shift_right_logical3A_468 : i32 to vector<256x1024xi32>
    %shift_right_logical3A_470 = arith.shrui %xor3A_463, %shift_right_logical3A_469 : vector<256x1024xi32>
    %or3A_471 = arith.ori %shift_left3A_467, %shift_right_logical3A_470 : vector<256x1024xi32>
    %xor3A_472 = arith.xori %or3A_471, %add3A_464 : vector<256x1024xi32>
    %add3A_473 = arith.addi %add3A_464, %xor3A_472 : vector<256x1024xi32>
    %shift_left3A_474 = arith.constant 24 : i32
    %shift_left3A_475 = vector.broadcast %shift_left3A_474 : i32 to vector<256x1024xi32>
    %shift_left3A_476 = arith.shli %xor3A_472, %shift_left3A_475 : vector<256x1024xi32>
    %shift_right_logical3A_477 = arith.constant 8 : i32
    %shift_right_logical3A_478 = vector.broadcast %shift_right_logical3A_477 : i32 to vector<256x1024xi32>
    %shift_right_logical3A_479 = arith.shrui %xor3A_472, %shift_right_logical3A_478 : vector<256x1024xi32>
    %or3A_480 = arith.ori %shift_left3A_476, %shift_right_logical3A_479 : vector<256x1024xi32>
    %xor3A_481 = arith.xori %or3A_480, %add3A_473 : vector<256x1024xi32>
    %add3A_482 = arith.constant 270669613 : i32
    %add3A_483 = vector.broadcast %add3A_482 : i32 to vector<256x1024xi32>
    %add3A_484 = arith.addi %add3A_473, %add3A_483 : vector<256x1024xi32>
    %add3A_485 = arith.constant 1724713084 : i32
    %add3A_486 = vector.broadcast %add3A_485 : i32 to vector<256x1024xi32>
    %add3A_487 = arith.addi %xor3A_481, %add3A_486 : vector<256x1024xi32>
    %add3A_488 = arith.addi %add3A_484, %add3A_487 : vector<256x1024xi32>
    %shift_left3A_489 = arith.constant 13 : i32
    %shift_left3A_490 = vector.broadcast %shift_left3A_489 : i32 to vector<256x1024xi32>
    %shift_left3A_491 = arith.shli %add3A_487, %shift_left3A_490 : vector<256x1024xi32>
    %shift_right_logical3A_492 = arith.constant 19 : i32
    %shift_right_logical3A_493 = vector.broadcast %shift_right_logical3A_492 : i32 to vector<256x1024xi32>
    %shift_right_logical3A_494 = arith.shrui %add3A_487, %shift_right_logical3A_493 : vector<256x1024xi32>
    %or3A_495 = arith.ori %shift_left3A_491, %shift_right_logical3A_494 : vector<256x1024xi32>
    %xor3A_496 = arith.xori %or3A_495, %add3A_488 : vector<256x1024xi32>
    %add3A_497 = arith.addi %add3A_488, %xor3A_496 : vector<256x1024xi32>
    %shift_left3A_498 = arith.constant 15 : i32
    %shift_left3A_499 = vector.broadcast %shift_left3A_498 : i32 to vector<256x1024xi32>
    %shift_left3A_500 = arith.shli %xor3A_496, %shift_left3A_499 : vector<256x1024xi32>
    %shift_right_logical3A_501 = arith.constant 17 : i32
    %shift_right_logical3A_502 = vector.broadcast %shift_right_logical3A_501 : i32 to vector<256x1024xi32>
    %shift_right_logical3A_503 = arith.shrui %xor3A_496, %shift_right_logical3A_502 : vector<256x1024xi32>
    %or3A_504 = arith.ori %shift_left3A_500, %shift_right_logical3A_503 : vector<256x1024xi32>
    %xor3A_505 = arith.xori %or3A_504, %add3A_497 : vector<256x1024xi32>
    %add3A_506 = arith.addi %add3A_497, %xor3A_505 : vector<256x1024xi32>
    %shift_left3A_507 = arith.constant 26 : i32
    %shift_left3A_508 = vector.broadcast %shift_left3A_507 : i32 to vector<256x1024xi32>
    %shift_left3A_509 = arith.shli %xor3A_505, %shift_left3A_508 : vector<256x1024xi32>
    %shift_right_logical3A_510 = arith.constant 6 : i32
    %shift_right_logical3A_511 = vector.broadcast %shift_right_logical3A_510 : i32 to vector<256x1024xi32>
    %shift_right_logical3A_512 = arith.shrui %xor3A_505, %shift_right_logical3A_511 : vector<256x1024xi32>
    %or3A_513 = arith.ori %shift_left3A_509, %shift_right_logical3A_512 : vector<256x1024xi32>
    %xor3A_514 = arith.xori %or3A_513, %add3A_506 : vector<256x1024xi32>
    %add3A_515 = arith.addi %add3A_506, %xor3A_514 : vector<256x1024xi32>
    %shift_left3A_516 = arith.constant 6 : i32
    %shift_left3A_517 = vector.broadcast %shift_left3A_516 : i32 to vector<256x1024xi32>
    %shift_left3A_518 = arith.shli %xor3A_514, %shift_left3A_517 : vector<256x1024xi32>
    %shift_right_logical3A_519 = arith.constant 26 : i32
    %shift_right_logical3A_520 = vector.broadcast %shift_right_logical3A_519 : i32 to vector<256x1024xi32>
    %shift_right_logical3A_521 = arith.shrui %xor3A_514, %shift_right_logical3A_520 : vector<256x1024xi32>
    %or3A_522 = arith.ori %shift_left3A_518, %shift_right_logical3A_521 : vector<256x1024xi32>
    %xor3A_523 = arith.xori %or3A_522, %add3A_515 : vector<256x1024xi32>
    %add3A_524 = arith.constant 1724713080 : i32
    %add3A_525 = vector.broadcast %add3A_524 : i32 to vector<256x1024xi32>
    %add3A_526 = arith.addi %add3A_515, %add3A_525 : vector<256x1024xi32>
    %add3A_527 = arith.constant 1832780948 : i32
    %add3A_528 = vector.broadcast %add3A_527 : i32 to vector<256x1024xi32>
    %add3A_529 = arith.addi %xor3A_523, %add3A_528 : vector<256x1024xi32>
    %xor3A_530 = arith.xori %add3A_526, %add3A_529 : vector<256x1024xi32>
    %shift_right_logical3A_531 = arith.constant 9 : i32
    %shift_right_logical3A_532 = vector.broadcast %shift_right_logical3A_531 : i32 to vector<256x1024xi32>
    %shift_right_logical3A_533 = arith.shrui %xor3A_530, %shift_right_logical3A_532 : vector<256x1024xi32>
    %convert_element_type3A_534 = arith.sitofp %shift_right_logical3A_533 : vector<256x1024xi32> to vector<256x1024xf32>
    %mul3A_535 = arith.constant 1.1920929E-7 : f32
    %mul3A_536 = vector.broadcast %mul3A_535 : f32 to vector<256x1024xf32>
    %mul3A_537 = arith.mulf %convert_element_type3A_534, %mul3A_536 : vector<256x1024xf32>
    %max3A_538 = arith.constant 1.17549435E-38 : f32
    %max3A_539 = vector.broadcast %max3A_538 : f32 to vector<256x1024xf32>
    %max3A_540 = arith.maximumf %mul3A_537, %max3A_539 : vector<256x1024xf32>
    %log3A_541 = math.log %max3A_540 : vector<256x1024xf32>
    %neg3A_542 = arith.constant 0.000000e+00 : f32
    %neg3A_543 = vector.broadcast %neg3A_542 : f32 to vector<256x1024xf32>
    %neg3A_544 = arith.subf %neg3A_543, %log3A_541 : vector<256x1024xf32>
    %log3A_545 = math.log %neg3A_544 : vector<256x1024xf32>
    %neg3A_546 = arith.constant 0.000000e+00 : f32
    %neg3A_547 = vector.broadcast %neg3A_546 : f32 to vector<256x1024xf32>
    %neg3A_548 = arith.subf %neg3A_547, %log3A_545 : vector<256x1024xf32>
    %add3A_549 = vector.broadcast %get3A_296 : vector<1x1024xf32> to vector<256x1024xf32>
    %add3A_550 = arith.addf %neg3A_548, %add3A_549 : vector<256x1024xf32>
    %reduce_max3A_551 = arith.constant dense<0xFF800000> : vector<256xf32>
    %reduce_max3A_552 = vector.multi_reduction <maximumf>, %add3A_550, %reduce_max3A_551 [1] : vector<256x1024xf32> to vector<256xf32>
    %broadcast_in_dim3A_553 = vector.shape_cast %reduce_max3A_552 : vector<256xf32> to vector<256x1xf32>
    %eq3A_554 = vector.broadcast %broadcast_in_dim3A_553 : vector<256x1xf32> to vector<256x1024xf32>
    %eq3A_555 = arith.cmpf oeq, %add3A_550, %eq3A_554 : vector<256x1024xf32>
    %jit3A_556 = arith.constant 1073741824 : i32
    %broadcast_in_dim3A_557 = vector.broadcast %jit3A_556 : i32 to vector<256x1024xi32>
    %select_n3A_558 = arith.select %eq3A_555, %iota3A_2, %broadcast_in_dim3A_557 : vector<256x1024xi1>, vector<256x1024xi32>
    %reduce_min3A_559 = arith.constant dense<2147483647> : vector<256xi32>
    %reduce_min3A_560 = vector.multi_reduction <minsi>, %select_n3A_558, %reduce_min3A_559 [1] : vector<256x1024xi32> to vector<256xi32>
    %broadcast_in_dim3A_561 = vector.shape_cast %reduce_min3A_560 : vector<256xi32> to vector<256x1xi32>
    %eq3A_562 = vector.broadcast %broadcast_in_dim3A_561 : vector<256x1xi32> to vector<256x1024xi32>
    %eq3A_563 = arith.cmpi eq, %iota3A_2, %eq3A_562 : vector<256x1024xi32>
    %jit3A_564 = arith.constant 0.000000e+00 : f32
    %broadcast_in_dim3A_565 = vector.shape_cast %get3A_296 : vector<1x1024xf32> to vector<1x1024xf32>
    %broadcast_in_dim3A_566 = vector.broadcast %broadcast_in_dim3A_565 : vector<1x1024xf32> to vector<256x1024xf32>
    %broadcast_in_dim3A_567 = vector.broadcast %jit3A_564 : f32 to vector<256x1024xf32>
    %select_n3A_568 = arith.select %eq3A_563, %broadcast_in_dim3A_566, %broadcast_in_dim3A_567 : vector<256x1024xi1>, vector<256x1024xf32>
    %reduce_sum3A_569 = arith.constant dense<0.000000e+00> : vector<256xf32>
    %reduce_sum3A_570 = vector.multi_reduction <add>, %select_n3A_568, %reduce_sum3A_569 [1] : vector<256x1024xf32> to vector<256xf32>
    %broadcast_in_dim3A_571 = vector.shape_cast %reduce_sum3A_570 : vector<256xf32> to vector<256x1xf32>
    %jit3A_572 = arith.constant 0.000000e+00 : f32
    %broadcast_in_dim3A_573 = vector.shape_cast %get3A_4 : vector<1x1024xf32> to vector<1x1024xf32>
    %broadcast_in_dim3A_574 = vector.broadcast %broadcast_in_dim3A_573 : vector<1x1024xf32> to vector<256x1024xf32>
    %broadcast_in_dim3A_575 = vector.broadcast %jit3A_572 : f32 to vector<256x1024xf32>
    %select_n3A_576 = arith.select %eq3A_563, %broadcast_in_dim3A_574, %broadcast_in_dim3A_575 : vector<256x1024xi1>, vector<256x1024xf32>
    %reduce_sum3A_577 = arith.constant dense<0.000000e+00> : vector<256xf32>
    %reduce_sum3A_578 = vector.multi_reduction <add>, %select_n3A_576, %reduce_sum3A_577 [1] : vector<256x1024xf32> to vector<256xf32>
    %broadcast_in_dim3A_579 = vector.shape_cast %reduce_sum3A_578 : vector<256xf32> to vector<256x1xf32>
    %logistic3A_580 = arith.negf %broadcast_in_dim3A_579 : vector<256x1xf32>
    %logistic3A_581 = math.exp %logistic3A_580 : vector<256x1xf32>
    %logistic3A_582 = arith.constant 1.000000e+00 : f32
    %logistic3A_583 = vector.broadcast %logistic3A_582 : f32 to vector<256x1xf32>
    %logistic3A_584 = arith.addf %logistic3A_583, %logistic3A_581 : vector<256x1xf32>
    %logistic3A_585 = arith.divf %logistic3A_583, %logistic3A_584 : vector<256x1xf32>
    %log3A_586 = math.log %logistic3A_585 : vector<256x1xf32>
    %neg3A_587 = arith.constant 0.000000e+00 : f32
    %neg3A_588 = vector.broadcast %neg3A_587 : f32 to vector<256x1xf32>
    %neg3A_589 = arith.subf %neg3A_588, %log3A_586 : vector<256x1xf32>
    %slice3A_590 = vector.extract_strided_slice %get3A_11 {offsets = [0, 1], sizes = [256, 1], strides = [1, 1]} : vector<256x4xf32> to vector<256x1xf32>
    %mul3A_591 = arith.mulf %slice3A_590, %logistic3A_585 : vector<256x1xf32>
    %sub3A_592 = vector.broadcast %add3A_311 : f32 to vector<256x1xf32>
    %sub3A_593 = arith.subf %broadcast_in_dim3A_571, %sub3A_592 : vector<256x1xf32>
    %add3A_594 = arith.addf %sub3A_593, %neg3A_589 : vector<256x1xf32>
    %get3A_595 = arith.constant 2 : index
    %get3A_596 = arith.constant 0 : index
    %get3A_597 = vector.load %arg1[%get3A_595, %get3A_596] : memref<4x1024xf32, #tpu.memory_space<vmem>>, vector<1x1024xf32>
    %reduce_max3A_598 = vector.shape_cast %get3A_597 : vector<1x1024xf32> to vector<1x1x1024xf32>
    %reduce_max3A_599 = arith.constant dense<0xFF800000> : vector<1xf32>
    %reduce_max3A_600 = vector.multi_reduction <maximumf>, %reduce_max3A_598, %reduce_max3A_599 [1, 2] : vector<1x1x1024xf32> to vector<1xf32>
    %reduce_max3A_601 = vector.shape_cast %reduce_max3A_600 : vector<1xf32> to vector<1x1x1xf32>
    %reduce_max3A_602 = vector.extract %reduce_max3A_601[0, 0, 0] : f32 from vector<1x1x1xf32>
    %sub3A_603 = vector.broadcast %reduce_max3A_602 : f32 to vector<1x1024xf32>
    %sub3A_604 = arith.subf %get3A_597, %sub3A_603 : vector<1x1024xf32>
    %exp3A_605 = math.exp %sub3A_604 : vector<1x1024xf32>
    %reduce_sum3A_606 = vector.shape_cast %exp3A_605 : vector<1x1024xf32> to vector<1x1x1024xf32>
    %reduce_sum3A_607 = arith.constant dense<0.000000e+00> : vector<1xf32>
    %reduce_sum3A_608 = vector.multi_reduction <add>, %reduce_sum3A_606, %reduce_sum3A_607 [1, 2] : vector<1x1x1024xf32> to vector<1xf32>
    %reduce_sum3A_609 = vector.shape_cast %reduce_sum3A_608 : vector<1xf32> to vector<1x1x1xf32>
    %reduce_sum3A_610 = vector.extract %reduce_sum3A_609[0, 0, 0] : f32 from vector<1x1x1xf32>
    %log3A_611 = math.log %reduce_sum3A_610 : f32
    %add3A_612 = arith.addf %log3A_611, %reduce_max3A_602 : f32
    %add3A_613 = arith.constant 2000 : i32
    %add3A_614 = vector.broadcast %add3A_613 : i32 to vector<256x1024xi32>
    %add3A_615 = arith.addi %add3A_8, %add3A_614 : vector<256x1024xi32>
    %broadcast_in_dim3A_616 = arith.constant 1832780943 : i32
    %broadcast_in_dim3A_617 = vector.broadcast %broadcast_in_dim3A_616 : i32 to vector<256x1024xi32>
    %add3A_618 = arith.constant 270669613 : i32
    %add3A_619 = vector.broadcast %add3A_618 : i32 to vector<256x1024xi32>
    %add3A_620 = arith.addi %add3A_615, %add3A_619 : vector<256x1024xi32>
    %add3A_621 = arith.addi %broadcast_in_dim3A_617, %add3A_620 : vector<256x1024xi32>
    %shift_left3A_622 = arith.constant 13 : i32
    %shift_left3A_623 = vector.broadcast %shift_left3A_622 : i32 to vector<256x1024xi32>
    %shift_left3A_624 = arith.shli %add3A_620, %shift_left3A_623 : vector<256x1024xi32>
    %shift_right_logical3A_625 = arith.constant 19 : i32
    %shift_right_logical3A_626 = vector.broadcast %shift_right_logical3A_625 : i32 to vector<256x1024xi32>
    %shift_right_logical3A_627 = arith.shrui %add3A_620, %shift_right_logical3A_626 : vector<256x1024xi32>
    %or3A_628 = arith.ori %shift_left3A_624, %shift_right_logical3A_627 : vector<256x1024xi32>
    %xor3A_629 = arith.xori %or3A_628, %add3A_621 : vector<256x1024xi32>
    %add3A_630 = arith.addi %add3A_621, %xor3A_629 : vector<256x1024xi32>
    %shift_left3A_631 = arith.constant 15 : i32
    %shift_left3A_632 = vector.broadcast %shift_left3A_631 : i32 to vector<256x1024xi32>
    %shift_left3A_633 = arith.shli %xor3A_629, %shift_left3A_632 : vector<256x1024xi32>
    %shift_right_logical3A_634 = arith.constant 17 : i32
    %shift_right_logical3A_635 = vector.broadcast %shift_right_logical3A_634 : i32 to vector<256x1024xi32>
    %shift_right_logical3A_636 = arith.shrui %xor3A_629, %shift_right_logical3A_635 : vector<256x1024xi32>
    %or3A_637 = arith.ori %shift_left3A_633, %shift_right_logical3A_636 : vector<256x1024xi32>
    %xor3A_638 = arith.xori %or3A_637, %add3A_630 : vector<256x1024xi32>
    %add3A_639 = arith.addi %add3A_630, %xor3A_638 : vector<256x1024xi32>
    %shift_left3A_640 = arith.constant 26 : i32
    %shift_left3A_641 = vector.broadcast %shift_left3A_640 : i32 to vector<256x1024xi32>
    %shift_left3A_642 = arith.shli %xor3A_638, %shift_left3A_641 : vector<256x1024xi32>
    %shift_right_logical3A_643 = arith.constant 6 : i32
    %shift_right_logical3A_644 = vector.broadcast %shift_right_logical3A_643 : i32 to vector<256x1024xi32>
    %shift_right_logical3A_645 = arith.shrui %xor3A_638, %shift_right_logical3A_644 : vector<256x1024xi32>
    %or3A_646 = arith.ori %shift_left3A_642, %shift_right_logical3A_645 : vector<256x1024xi32>
    %xor3A_647 = arith.xori %or3A_646, %add3A_639 : vector<256x1024xi32>
    %add3A_648 = arith.addi %add3A_639, %xor3A_647 : vector<256x1024xi32>
    %shift_left3A_649 = arith.constant 6 : i32
    %shift_left3A_650 = vector.broadcast %shift_left3A_649 : i32 to vector<256x1024xi32>
    %shift_left3A_651 = arith.shli %xor3A_647, %shift_left3A_650 : vector<256x1024xi32>
    %shift_right_logical3A_652 = arith.constant 26 : i32
    %shift_right_logical3A_653 = vector.broadcast %shift_right_logical3A_652 : i32 to vector<256x1024xi32>
    %shift_right_logical3A_654 = arith.shrui %xor3A_647, %shift_right_logical3A_653 : vector<256x1024xi32>
    %or3A_655 = arith.ori %shift_left3A_651, %shift_right_logical3A_654 : vector<256x1024xi32>
    %xor3A_656 = arith.xori %or3A_655, %add3A_648 : vector<256x1024xi32>
    %add3A_657 = arith.constant 270669613 : i32
    %add3A_658 = vector.broadcast %add3A_657 : i32 to vector<256x1024xi32>
    %add3A_659 = arith.addi %add3A_648, %add3A_658 : vector<256x1024xi32>
    %add3A_660 = arith.constant 1724713081 : i32
    %add3A_661 = vector.broadcast %add3A_660 : i32 to vector<256x1024xi32>
    %add3A_662 = arith.addi %xor3A_656, %add3A_661 : vector<256x1024xi32>
    %add3A_663 = arith.addi %add3A_659, %add3A_662 : vector<256x1024xi32>
    %shift_left3A_664 = arith.constant 17 : i32
    %shift_left3A_665 = vector.broadcast %shift_left3A_664 : i32 to vector<256x1024xi32>
    %shift_left3A_666 = arith.shli %add3A_662, %shift_left3A_665 : vector<256x1024xi32>
    %shift_right_logical3A_667 = arith.constant 15 : i32
    %shift_right_logical3A_668 = vector.broadcast %shift_right_logical3A_667 : i32 to vector<256x1024xi32>
    %shift_right_logical3A_669 = arith.shrui %add3A_662, %shift_right_logical3A_668 : vector<256x1024xi32>
    %or3A_670 = arith.ori %shift_left3A_666, %shift_right_logical3A_669 : vector<256x1024xi32>
    %xor3A_671 = arith.xori %or3A_670, %add3A_663 : vector<256x1024xi32>
    %add3A_672 = arith.addi %add3A_663, %xor3A_671 : vector<256x1024xi32>
    %shift_left3A_673 = arith.constant 29 : i32
    %shift_left3A_674 = vector.broadcast %shift_left3A_673 : i32 to vector<256x1024xi32>
    %shift_left3A_675 = arith.shli %xor3A_671, %shift_left3A_674 : vector<256x1024xi32>
    %shift_right_logical3A_676 = arith.constant 3 : i32
    %shift_right_logical3A_677 = vector.broadcast %shift_right_logical3A_676 : i32 to vector<256x1024xi32>
    %shift_right_logical3A_678 = arith.shrui %xor3A_671, %shift_right_logical3A_677 : vector<256x1024xi32>
    %or3A_679 = arith.ori %shift_left3A_675, %shift_right_logical3A_678 : vector<256x1024xi32>
    %xor3A_680 = arith.xori %or3A_679, %add3A_672 : vector<256x1024xi32>
    %add3A_681 = arith.addi %add3A_672, %xor3A_680 : vector<256x1024xi32>
    %shift_left3A_682 = arith.constant 16 : i32
    %shift_left3A_683 = vector.broadcast %shift_left3A_682 : i32 to vector<256x1024xi32>
    %shift_left3A_684 = arith.shli %xor3A_680, %shift_left3A_683 : vector<256x1024xi32>
    %shift_right_logical3A_685 = arith.constant 16 : i32
    %shift_right_logical3A_686 = vector.broadcast %shift_right_logical3A_685 : i32 to vector<256x1024xi32>
    %shift_right_logical3A_687 = arith.shrui %xor3A_680, %shift_right_logical3A_686 : vector<256x1024xi32>
    %or3A_688 = arith.ori %shift_left3A_684, %shift_right_logical3A_687 : vector<256x1024xi32>
    %xor3A_689 = arith.xori %or3A_688, %add3A_681 : vector<256x1024xi32>
    %add3A_690 = arith.addi %add3A_681, %xor3A_689 : vector<256x1024xi32>
    %shift_left3A_691 = arith.constant 24 : i32
    %shift_left3A_692 = vector.broadcast %shift_left3A_691 : i32 to vector<256x1024xi32>
    %shift_left3A_693 = arith.shli %xor3A_689, %shift_left3A_692 : vector<256x1024xi32>
    %shift_right_logical3A_694 = arith.constant 8 : i32
    %shift_right_logical3A_695 = vector.broadcast %shift_right_logical3A_694 : i32 to vector<256x1024xi32>
    %shift_right_logical3A_696 = arith.shrui %xor3A_689, %shift_right_logical3A_695 : vector<256x1024xi32>
    %or3A_697 = arith.ori %shift_left3A_693, %shift_right_logical3A_696 : vector<256x1024xi32>
    %xor3A_698 = arith.xori %or3A_697, %add3A_690 : vector<256x1024xi32>
    %add3A_699 = arith.constant 1724713080 : i32
    %add3A_700 = vector.broadcast %add3A_699 : i32 to vector<256x1024xi32>
    %add3A_701 = arith.addi %add3A_690, %add3A_700 : vector<256x1024xi32>
    %add3A_702 = arith.constant 1832780945 : i32
    %add3A_703 = vector.broadcast %add3A_702 : i32 to vector<256x1024xi32>
    %add3A_704 = arith.addi %xor3A_698, %add3A_703 : vector<256x1024xi32>
    %add3A_705 = arith.addi %add3A_701, %add3A_704 : vector<256x1024xi32>
    %shift_left3A_706 = arith.constant 13 : i32
    %shift_left3A_707 = vector.broadcast %shift_left3A_706 : i32 to vector<256x1024xi32>
    %shift_left3A_708 = arith.shli %add3A_704, %shift_left3A_707 : vector<256x1024xi32>
    %shift_right_logical3A_709 = arith.constant 19 : i32
    %shift_right_logical3A_710 = vector.broadcast %shift_right_logical3A_709 : i32 to vector<256x1024xi32>
    %shift_right_logical3A_711 = arith.shrui %add3A_704, %shift_right_logical3A_710 : vector<256x1024xi32>
    %or3A_712 = arith.ori %shift_left3A_708, %shift_right_logical3A_711 : vector<256x1024xi32>
    %xor3A_713 = arith.xori %or3A_712, %add3A_705 : vector<256x1024xi32>
    %add3A_714 = arith.addi %add3A_705, %xor3A_713 : vector<256x1024xi32>
    %shift_left3A_715 = arith.constant 15 : i32
    %shift_left3A_716 = vector.broadcast %shift_left3A_715 : i32 to vector<256x1024xi32>
    %shift_left3A_717 = arith.shli %xor3A_713, %shift_left3A_716 : vector<256x1024xi32>
    %shift_right_logical3A_718 = arith.constant 17 : i32
    %shift_right_logical3A_719 = vector.broadcast %shift_right_logical3A_718 : i32 to vector<256x1024xi32>
    %shift_right_logical3A_720 = arith.shrui %xor3A_713, %shift_right_logical3A_719 : vector<256x1024xi32>
    %or3A_721 = arith.ori %shift_left3A_717, %shift_right_logical3A_720 : vector<256x1024xi32>
    %xor3A_722 = arith.xori %or3A_721, %add3A_714 : vector<256x1024xi32>
    %add3A_723 = arith.addi %add3A_714, %xor3A_722 : vector<256x1024xi32>
    %shift_left3A_724 = arith.constant 26 : i32
    %shift_left3A_725 = vector.broadcast %shift_left3A_724 : i32 to vector<256x1024xi32>
    %shift_left3A_726 = arith.shli %xor3A_722, %shift_left3A_725 : vector<256x1024xi32>
    %shift_right_logical3A_727 = arith.constant 6 : i32
    %shift_right_logical3A_728 = vector.broadcast %shift_right_logical3A_727 : i32 to vector<256x1024xi32>
    %shift_right_logical3A_729 = arith.shrui %xor3A_722, %shift_right_logical3A_728 : vector<256x1024xi32>
    %or3A_730 = arith.ori %shift_left3A_726, %shift_right_logical3A_729 : vector<256x1024xi32>
    %xor3A_731 = arith.xori %or3A_730, %add3A_723 : vector<256x1024xi32>
    %add3A_732 = arith.addi %add3A_723, %xor3A_731 : vector<256x1024xi32>
    %shift_left3A_733 = arith.constant 6 : i32
    %shift_left3A_734 = vector.broadcast %shift_left3A_733 : i32 to vector<256x1024xi32>
    %shift_left3A_735 = arith.shli %xor3A_731, %shift_left3A_734 : vector<256x1024xi32>
    %shift_right_logical3A_736 = arith.constant 26 : i32
    %shift_right_logical3A_737 = vector.broadcast %shift_right_logical3A_736 : i32 to vector<256x1024xi32>
    %shift_right_logical3A_738 = arith.shrui %xor3A_731, %shift_right_logical3A_737 : vector<256x1024xi32>
    %or3A_739 = arith.ori %shift_left3A_735, %shift_right_logical3A_738 : vector<256x1024xi32>
    %xor3A_740 = arith.xori %or3A_739, %add3A_732 : vector<256x1024xi32>
    %add3A_741 = arith.constant 1832780943 : i32
    %add3A_742 = vector.broadcast %add3A_741 : i32 to vector<256x1024xi32>
    %add3A_743 = arith.addi %add3A_732, %add3A_742 : vector<256x1024xi32>
    %add3A_744 = arith.constant 270669616 : i32
    %add3A_745 = vector.broadcast %add3A_744 : i32 to vector<256x1024xi32>
    %add3A_746 = arith.addi %xor3A_740, %add3A_745 : vector<256x1024xi32>
    %add3A_747 = arith.addi %add3A_743, %add3A_746 : vector<256x1024xi32>
    %shift_left3A_748 = arith.constant 17 : i32
    %shift_left3A_749 = vector.broadcast %shift_left3A_748 : i32 to vector<256x1024xi32>
    %shift_left3A_750 = arith.shli %add3A_746, %shift_left3A_749 : vector<256x1024xi32>
    %shift_right_logical3A_751 = arith.constant 15 : i32
    %shift_right_logical3A_752 = vector.broadcast %shift_right_logical3A_751 : i32 to vector<256x1024xi32>
    %shift_right_logical3A_753 = arith.shrui %add3A_746, %shift_right_logical3A_752 : vector<256x1024xi32>
    %or3A_754 = arith.ori %shift_left3A_750, %shift_right_logical3A_753 : vector<256x1024xi32>
    %xor3A_755 = arith.xori %or3A_754, %add3A_747 : vector<256x1024xi32>
    %add3A_756 = arith.addi %add3A_747, %xor3A_755 : vector<256x1024xi32>
    %shift_left3A_757 = arith.constant 29 : i32
    %shift_left3A_758 = vector.broadcast %shift_left3A_757 : i32 to vector<256x1024xi32>
    %shift_left3A_759 = arith.shli %xor3A_755, %shift_left3A_758 : vector<256x1024xi32>
    %shift_right_logical3A_760 = arith.constant 3 : i32
    %shift_right_logical3A_761 = vector.broadcast %shift_right_logical3A_760 : i32 to vector<256x1024xi32>
    %shift_right_logical3A_762 = arith.shrui %xor3A_755, %shift_right_logical3A_761 : vector<256x1024xi32>
    %or3A_763 = arith.ori %shift_left3A_759, %shift_right_logical3A_762 : vector<256x1024xi32>
    %xor3A_764 = arith.xori %or3A_763, %add3A_756 : vector<256x1024xi32>
    %add3A_765 = arith.addi %add3A_756, %xor3A_764 : vector<256x1024xi32>
    %shift_left3A_766 = arith.constant 16 : i32
    %shift_left3A_767 = vector.broadcast %shift_left3A_766 : i32 to vector<256x1024xi32>
    %shift_left3A_768 = arith.shli %xor3A_764, %shift_left3A_767 : vector<256x1024xi32>
    %shift_right_logical3A_769 = arith.constant 16 : i32
    %shift_right_logical3A_770 = vector.broadcast %shift_right_logical3A_769 : i32 to vector<256x1024xi32>
    %shift_right_logical3A_771 = arith.shrui %xor3A_764, %shift_right_logical3A_770 : vector<256x1024xi32>
    %or3A_772 = arith.ori %shift_left3A_768, %shift_right_logical3A_771 : vector<256x1024xi32>
    %xor3A_773 = arith.xori %or3A_772, %add3A_765 : vector<256x1024xi32>
    %add3A_774 = arith.addi %add3A_765, %xor3A_773 : vector<256x1024xi32>
    %shift_left3A_775 = arith.constant 24 : i32
    %shift_left3A_776 = vector.broadcast %shift_left3A_775 : i32 to vector<256x1024xi32>
    %shift_left3A_777 = arith.shli %xor3A_773, %shift_left3A_776 : vector<256x1024xi32>
    %shift_right_logical3A_778 = arith.constant 8 : i32
    %shift_right_logical3A_779 = vector.broadcast %shift_right_logical3A_778 : i32 to vector<256x1024xi32>
    %shift_right_logical3A_780 = arith.shrui %xor3A_773, %shift_right_logical3A_779 : vector<256x1024xi32>
    %or3A_781 = arith.ori %shift_left3A_777, %shift_right_logical3A_780 : vector<256x1024xi32>
    %xor3A_782 = arith.xori %or3A_781, %add3A_774 : vector<256x1024xi32>
    %add3A_783 = arith.constant 270669613 : i32
    %add3A_784 = vector.broadcast %add3A_783 : i32 to vector<256x1024xi32>
    %add3A_785 = arith.addi %add3A_774, %add3A_784 : vector<256x1024xi32>
    %add3A_786 = arith.constant 1724713084 : i32
    %add3A_787 = vector.broadcast %add3A_786 : i32 to vector<256x1024xi32>
    %add3A_788 = arith.addi %xor3A_782, %add3A_787 : vector<256x1024xi32>
    %add3A_789 = arith.addi %add3A_785, %add3A_788 : vector<256x1024xi32>
    %shift_left3A_790 = arith.constant 13 : i32
    %shift_left3A_791 = vector.broadcast %shift_left3A_790 : i32 to vector<256x1024xi32>
    %shift_left3A_792 = arith.shli %add3A_788, %shift_left3A_791 : vector<256x1024xi32>
    %shift_right_logical3A_793 = arith.constant 19 : i32
    %shift_right_logical3A_794 = vector.broadcast %shift_right_logical3A_793 : i32 to vector<256x1024xi32>
    %shift_right_logical3A_795 = arith.shrui %add3A_788, %shift_right_logical3A_794 : vector<256x1024xi32>
    %or3A_796 = arith.ori %shift_left3A_792, %shift_right_logical3A_795 : vector<256x1024xi32>
    %xor3A_797 = arith.xori %or3A_796, %add3A_789 : vector<256x1024xi32>
    %add3A_798 = arith.addi %add3A_789, %xor3A_797 : vector<256x1024xi32>
    %shift_left3A_799 = arith.constant 15 : i32
    %shift_left3A_800 = vector.broadcast %shift_left3A_799 : i32 to vector<256x1024xi32>
    %shift_left3A_801 = arith.shli %xor3A_797, %shift_left3A_800 : vector<256x1024xi32>
    %shift_right_logical3A_802 = arith.constant 17 : i32
    %shift_right_logical3A_803 = vector.broadcast %shift_right_logical3A_802 : i32 to vector<256x1024xi32>
    %shift_right_logical3A_804 = arith.shrui %xor3A_797, %shift_right_logical3A_803 : vector<256x1024xi32>
    %or3A_805 = arith.ori %shift_left3A_801, %shift_right_logical3A_804 : vector<256x1024xi32>
    %xor3A_806 = arith.xori %or3A_805, %add3A_798 : vector<256x1024xi32>
    %add3A_807 = arith.addi %add3A_798, %xor3A_806 : vector<256x1024xi32>
    %shift_left3A_808 = arith.constant 26 : i32
    %shift_left3A_809 = vector.broadcast %shift_left3A_808 : i32 to vector<256x1024xi32>
    %shift_left3A_810 = arith.shli %xor3A_806, %shift_left3A_809 : vector<256x1024xi32>
    %shift_right_logical3A_811 = arith.constant 6 : i32
    %shift_right_logical3A_812 = vector.broadcast %shift_right_logical3A_811 : i32 to vector<256x1024xi32>
    %shift_right_logical3A_813 = arith.shrui %xor3A_806, %shift_right_logical3A_812 : vector<256x1024xi32>
    %or3A_814 = arith.ori %shift_left3A_810, %shift_right_logical3A_813 : vector<256x1024xi32>
    %xor3A_815 = arith.xori %or3A_814, %add3A_807 : vector<256x1024xi32>
    %add3A_816 = arith.addi %add3A_807, %xor3A_815 : vector<256x1024xi32>
    %shift_left3A_817 = arith.constant 6 : i32
    %shift_left3A_818 = vector.broadcast %shift_left3A_817 : i32 to vector<256x1024xi32>
    %shift_left3A_819 = arith.shli %xor3A_815, %shift_left3A_818 : vector<256x1024xi32>
    %shift_right_logical3A_820 = arith.constant 26 : i32
    %shift_right_logical3A_821 = vector.broadcast %shift_right_logical3A_820 : i32 to vector<256x1024xi32>
    %shift_right_logical3A_822 = arith.shrui %xor3A_815, %shift_right_logical3A_821 : vector<256x1024xi32>
    %or3A_823 = arith.ori %shift_left3A_819, %shift_right_logical3A_822 : vector<256x1024xi32>
    %xor3A_824 = arith.xori %or3A_823, %add3A_816 : vector<256x1024xi32>
    %add3A_825 = arith.constant 1724713080 : i32
    %add3A_826 = vector.broadcast %add3A_825 : i32 to vector<256x1024xi32>
    %add3A_827 = arith.addi %add3A_816, %add3A_826 : vector<256x1024xi32>
    %add3A_828 = arith.constant 1832780948 : i32
    %add3A_829 = vector.broadcast %add3A_828 : i32 to vector<256x1024xi32>
    %add3A_830 = arith.addi %xor3A_824, %add3A_829 : vector<256x1024xi32>
    %xor3A_831 = arith.xori %add3A_827, %add3A_830 : vector<256x1024xi32>
    %shift_right_logical3A_832 = arith.constant 9 : i32
    %shift_right_logical3A_833 = vector.broadcast %shift_right_logical3A_832 : i32 to vector<256x1024xi32>
    %shift_right_logical3A_834 = arith.shrui %xor3A_831, %shift_right_logical3A_833 : vector<256x1024xi32>
    %convert_element_type3A_835 = arith.sitofp %shift_right_logical3A_834 : vector<256x1024xi32> to vector<256x1024xf32>
    %mul3A_836 = arith.constant 1.1920929E-7 : f32
    %mul3A_837 = vector.broadcast %mul3A_836 : f32 to vector<256x1024xf32>
    %mul3A_838 = arith.mulf %convert_element_type3A_835, %mul3A_837 : vector<256x1024xf32>
    %max3A_839 = arith.constant 1.17549435E-38 : f32
    %max3A_840 = vector.broadcast %max3A_839 : f32 to vector<256x1024xf32>
    %max3A_841 = arith.maximumf %mul3A_838, %max3A_840 : vector<256x1024xf32>
    %log3A_842 = math.log %max3A_841 : vector<256x1024xf32>
    %neg3A_843 = arith.constant 0.000000e+00 : f32
    %neg3A_844 = vector.broadcast %neg3A_843 : f32 to vector<256x1024xf32>
    %neg3A_845 = arith.subf %neg3A_844, %log3A_842 : vector<256x1024xf32>
    %log3A_846 = math.log %neg3A_845 : vector<256x1024xf32>
    %neg3A_847 = arith.constant 0.000000e+00 : f32
    %neg3A_848 = vector.broadcast %neg3A_847 : f32 to vector<256x1024xf32>
    %neg3A_849 = arith.subf %neg3A_848, %log3A_846 : vector<256x1024xf32>
    %add3A_850 = vector.broadcast %get3A_597 : vector<1x1024xf32> to vector<256x1024xf32>
    %add3A_851 = arith.addf %neg3A_849, %add3A_850 : vector<256x1024xf32>
    %reduce_max3A_852 = arith.constant dense<0xFF800000> : vector<256xf32>
    %reduce_max3A_853 = vector.multi_reduction <maximumf>, %add3A_851, %reduce_max3A_852 [1] : vector<256x1024xf32> to vector<256xf32>
    %broadcast_in_dim3A_854 = vector.shape_cast %reduce_max3A_853 : vector<256xf32> to vector<256x1xf32>
    %eq3A_855 = vector.broadcast %broadcast_in_dim3A_854 : vector<256x1xf32> to vector<256x1024xf32>
    %eq3A_856 = arith.cmpf oeq, %add3A_851, %eq3A_855 : vector<256x1024xf32>
    %jit3A_857 = arith.constant 1073741824 : i32
    %broadcast_in_dim3A_858 = vector.broadcast %jit3A_857 : i32 to vector<256x1024xi32>
    %select_n3A_859 = arith.select %eq3A_856, %iota3A_2, %broadcast_in_dim3A_858 : vector<256x1024xi1>, vector<256x1024xi32>
    %reduce_min3A_860 = arith.constant dense<2147483647> : vector<256xi32>
    %reduce_min3A_861 = vector.multi_reduction <minsi>, %select_n3A_859, %reduce_min3A_860 [1] : vector<256x1024xi32> to vector<256xi32>
    %broadcast_in_dim3A_862 = vector.shape_cast %reduce_min3A_861 : vector<256xi32> to vector<256x1xi32>
    %eq3A_863 = vector.broadcast %broadcast_in_dim3A_862 : vector<256x1xi32> to vector<256x1024xi32>
    %eq3A_864 = arith.cmpi eq, %iota3A_2, %eq3A_863 : vector<256x1024xi32>
    %jit3A_865 = arith.constant 0.000000e+00 : f32
    %broadcast_in_dim3A_866 = vector.shape_cast %get3A_597 : vector<1x1024xf32> to vector<1x1024xf32>
    %broadcast_in_dim3A_867 = vector.broadcast %broadcast_in_dim3A_866 : vector<1x1024xf32> to vector<256x1024xf32>
    %broadcast_in_dim3A_868 = vector.broadcast %jit3A_865 : f32 to vector<256x1024xf32>
    %select_n3A_869 = arith.select %eq3A_864, %broadcast_in_dim3A_867, %broadcast_in_dim3A_868 : vector<256x1024xi1>, vector<256x1024xf32>
    %reduce_sum3A_870 = arith.constant dense<0.000000e+00> : vector<256xf32>
    %reduce_sum3A_871 = vector.multi_reduction <add>, %select_n3A_869, %reduce_sum3A_870 [1] : vector<256x1024xf32> to vector<256xf32>
    %broadcast_in_dim3A_872 = vector.shape_cast %reduce_sum3A_871 : vector<256xf32> to vector<256x1xf32>
    %jit3A_873 = arith.constant 0.000000e+00 : f32
    %broadcast_in_dim3A_874 = vector.shape_cast %get3A_4 : vector<1x1024xf32> to vector<1x1024xf32>
    %broadcast_in_dim3A_875 = vector.broadcast %broadcast_in_dim3A_874 : vector<1x1024xf32> to vector<256x1024xf32>
    %broadcast_in_dim3A_876 = vector.broadcast %jit3A_873 : f32 to vector<256x1024xf32>
    %select_n3A_877 = arith.select %eq3A_864, %broadcast_in_dim3A_875, %broadcast_in_dim3A_876 : vector<256x1024xi1>, vector<256x1024xf32>
    %reduce_sum3A_878 = arith.constant dense<0.000000e+00> : vector<256xf32>
    %reduce_sum3A_879 = vector.multi_reduction <add>, %select_n3A_877, %reduce_sum3A_878 [1] : vector<256x1024xf32> to vector<256xf32>
    %broadcast_in_dim3A_880 = vector.shape_cast %reduce_sum3A_879 : vector<256xf32> to vector<256x1xf32>
    %logistic3A_881 = arith.negf %broadcast_in_dim3A_880 : vector<256x1xf32>
    %logistic3A_882 = math.exp %logistic3A_881 : vector<256x1xf32>
    %logistic3A_883 = arith.constant 1.000000e+00 : f32
    %logistic3A_884 = vector.broadcast %logistic3A_883 : f32 to vector<256x1xf32>
    %logistic3A_885 = arith.addf %logistic3A_884, %logistic3A_882 : vector<256x1xf32>
    %logistic3A_886 = arith.divf %logistic3A_884, %logistic3A_885 : vector<256x1xf32>
    %log3A_887 = math.log %logistic3A_886 : vector<256x1xf32>
    %neg3A_888 = arith.constant 0.000000e+00 : f32
    %neg3A_889 = vector.broadcast %neg3A_888 : f32 to vector<256x1xf32>
    %neg3A_890 = arith.subf %neg3A_889, %log3A_887 : vector<256x1xf32>
    %slice3A_891 = vector.extract_strided_slice %get3A_11 {offsets = [0, 2], sizes = [256, 1], strides = [1, 1]} : vector<256x4xf32> to vector<256x1xf32>
    %mul3A_892 = arith.mulf %slice3A_891, %logistic3A_886 : vector<256x1xf32>
    %sub3A_893 = vector.broadcast %add3A_612 : f32 to vector<256x1xf32>
    %sub3A_894 = arith.subf %broadcast_in_dim3A_872, %sub3A_893 : vector<256x1xf32>
    %add3A_895 = arith.addf %sub3A_894, %neg3A_890 : vector<256x1xf32>
    %get3A_896 = arith.constant 3 : index
    %get3A_897 = arith.constant 0 : index
    %get3A_898 = vector.load %arg1[%get3A_896, %get3A_897] : memref<4x1024xf32, #tpu.memory_space<vmem>>, vector<1x1024xf32>
    %reduce_max3A_899 = vector.shape_cast %get3A_898 : vector<1x1024xf32> to vector<1x1x1024xf32>
    %reduce_max3A_900 = arith.constant dense<0xFF800000> : vector<1xf32>
    %reduce_max3A_901 = vector.multi_reduction <maximumf>, %reduce_max3A_899, %reduce_max3A_900 [1, 2] : vector<1x1x1024xf32> to vector<1xf32>
    %reduce_max3A_902 = vector.shape_cast %reduce_max3A_901 : vector<1xf32> to vector<1x1x1xf32>
    %reduce_max3A_903 = vector.extract %reduce_max3A_902[0, 0, 0] : f32 from vector<1x1x1xf32>
    %sub3A_904 = vector.broadcast %reduce_max3A_903 : f32 to vector<1x1024xf32>
    %sub3A_905 = arith.subf %get3A_898, %sub3A_904 : vector<1x1024xf32>
    %exp3A_906 = math.exp %sub3A_905 : vector<1x1024xf32>
    %reduce_sum3A_907 = vector.shape_cast %exp3A_906 : vector<1x1024xf32> to vector<1x1x1024xf32>
    %reduce_sum3A_908 = arith.constant dense<0.000000e+00> : vector<1xf32>
    %reduce_sum3A_909 = vector.multi_reduction <add>, %reduce_sum3A_907, %reduce_sum3A_908 [1, 2] : vector<1x1x1024xf32> to vector<1xf32>
    %reduce_sum3A_910 = vector.shape_cast %reduce_sum3A_909 : vector<1xf32> to vector<1x1x1xf32>
    %reduce_sum3A_911 = vector.extract %reduce_sum3A_910[0, 0, 0] : f32 from vector<1x1x1xf32>
    %log3A_912 = math.log %reduce_sum3A_911 : f32
    %add3A_913 = arith.addf %log3A_912, %reduce_max3A_903 : f32
    %add3A_914 = arith.constant 3000 : i32
    %add3A_915 = vector.broadcast %add3A_914 : i32 to vector<256x1024xi32>
    %add3A_916 = arith.addi %add3A_8, %add3A_915 : vector<256x1024xi32>
    %broadcast_in_dim3A_917 = arith.constant 1832780943 : i32
    %broadcast_in_dim3A_918 = vector.broadcast %broadcast_in_dim3A_917 : i32 to vector<256x1024xi32>
    %add3A_919 = arith.constant 270669613 : i32
    %add3A_920 = vector.broadcast %add3A_919 : i32 to vector<256x1024xi32>
    %add3A_921 = arith.addi %add3A_916, %add3A_920 : vector<256x1024xi32>
    %add3A_922 = arith.addi %broadcast_in_dim3A_918, %add3A_921 : vector<256x1024xi32>
    %shift_left3A_923 = arith.constant 13 : i32
    %shift_left3A_924 = vector.broadcast %shift_left3A_923 : i32 to vector<256x1024xi32>
    %shift_left3A_925 = arith.shli %add3A_921, %shift_left3A_924 : vector<256x1024xi32>
    %shift_right_logical3A_926 = arith.constant 19 : i32
    %shift_right_logical3A_927 = vector.broadcast %shift_right_logical3A_926 : i32 to vector<256x1024xi32>
    %shift_right_logical3A_928 = arith.shrui %add3A_921, %shift_right_logical3A_927 : vector<256x1024xi32>
    %or3A_929 = arith.ori %shift_left3A_925, %shift_right_logical3A_928 : vector<256x1024xi32>
    %xor3A_930 = arith.xori %or3A_929, %add3A_922 : vector<256x1024xi32>
    %add3A_931 = arith.addi %add3A_922, %xor3A_930 : vector<256x1024xi32>
    %shift_left3A_932 = arith.constant 15 : i32
    %shift_left3A_933 = vector.broadcast %shift_left3A_932 : i32 to vector<256x1024xi32>
    %shift_left3A_934 = arith.shli %xor3A_930, %shift_left3A_933 : vector<256x1024xi32>
    %shift_right_logical3A_935 = arith.constant 17 : i32
    %shift_right_logical3A_936 = vector.broadcast %shift_right_logical3A_935 : i32 to vector<256x1024xi32>
    %shift_right_logical3A_937 = arith.shrui %xor3A_930, %shift_right_logical3A_936 : vector<256x1024xi32>
    %or3A_938 = arith.ori %shift_left3A_934, %shift_right_logical3A_937 : vector<256x1024xi32>
    %xor3A_939 = arith.xori %or3A_938, %add3A_931 : vector<256x1024xi32>
    %add3A_940 = arith.addi %add3A_931, %xor3A_939 : vector<256x1024xi32>
    %shift_left3A_941 = arith.constant 26 : i32
    %shift_left3A_942 = vector.broadcast %shift_left3A_941 : i32 to vector<256x1024xi32>
    %shift_left3A_943 = arith.shli %xor3A_939, %shift_left3A_942 : vector<256x1024xi32>
    %shift_right_logical3A_944 = arith.constant 6 : i32
    %shift_right_logical3A_945 = vector.broadcast %shift_right_logical3A_944 : i32 to vector<256x1024xi32>
    %shift_right_logical3A_946 = arith.shrui %xor3A_939, %shift_right_logical3A_945 : vector<256x1024xi32>
    %or3A_947 = arith.ori %shift_left3A_943, %shift_right_logical3A_946 : vector<256x1024xi32>
    %xor3A_948 = arith.xori %or3A_947, %add3A_940 : vector<256x1024xi32>
    %add3A_949 = arith.addi %add3A_940, %xor3A_948 : vector<256x1024xi32>
    %shift_left3A_950 = arith.constant 6 : i32
    %shift_left3A_951 = vector.broadcast %shift_left3A_950 : i32 to vector<256x1024xi32>
    %shift_left3A_952 = arith.shli %xor3A_948, %shift_left3A_951 : vector<256x1024xi32>
    %shift_right_logical3A_953 = arith.constant 26 : i32
    %shift_right_logical3A_954 = vector.broadcast %shift_right_logical3A_953 : i32 to vector<256x1024xi32>
    %shift_right_logical3A_955 = arith.shrui %xor3A_948, %shift_right_logical3A_954 : vector<256x1024xi32>
    %or3A_956 = arith.ori %shift_left3A_952, %shift_right_logical3A_955 : vector<256x1024xi32>
    %xor3A_957 = arith.xori %or3A_956, %add3A_949 : vector<256x1024xi32>
    %add3A_958 = arith.constant 270669613 : i32
    %add3A_959 = vector.broadcast %add3A_958 : i32 to vector<256x1024xi32>
    %add3A_960 = arith.addi %add3A_949, %add3A_959 : vector<256x1024xi32>
    %add3A_961 = arith.constant 1724713081 : i32
    %add3A_962 = vector.broadcast %add3A_961 : i32 to vector<256x1024xi32>
    %add3A_963 = arith.addi %xor3A_957, %add3A_962 : vector<256x1024xi32>
    %add3A_964 = arith.addi %add3A_960, %add3A_963 : vector<256x1024xi32>
    %shift_left3A_965 = arith.constant 17 : i32
    %shift_left3A_966 = vector.broadcast %shift_left3A_965 : i32 to vector<256x1024xi32>
    %shift_left3A_967 = arith.shli %add3A_963, %shift_left3A_966 : vector<256x1024xi32>
    %shift_right_logical3A_968 = arith.constant 15 : i32
    %shift_right_logical3A_969 = vector.broadcast %shift_right_logical3A_968 : i32 to vector<256x1024xi32>
    %shift_right_logical3A_970 = arith.shrui %add3A_963, %shift_right_logical3A_969 : vector<256x1024xi32>
    %or3A_971 = arith.ori %shift_left3A_967, %shift_right_logical3A_970 : vector<256x1024xi32>
    %xor3A_972 = arith.xori %or3A_971, %add3A_964 : vector<256x1024xi32>
    %add3A_973 = arith.addi %add3A_964, %xor3A_972 : vector<256x1024xi32>
    %shift_left3A_974 = arith.constant 29 : i32
    %shift_left3A_975 = vector.broadcast %shift_left3A_974 : i32 to vector<256x1024xi32>
    %shift_left3A_976 = arith.shli %xor3A_972, %shift_left3A_975 : vector<256x1024xi32>
    %shift_right_logical3A_977 = arith.constant 3 : i32
    %shift_right_logical3A_978 = vector.broadcast %shift_right_logical3A_977 : i32 to vector<256x1024xi32>
    %shift_right_logical3A_979 = arith.shrui %xor3A_972, %shift_right_logical3A_978 : vector<256x1024xi32>
    %or3A_980 = arith.ori %shift_left3A_976, %shift_right_logical3A_979 : vector<256x1024xi32>
    %xor3A_981 = arith.xori %or3A_980, %add3A_973 : vector<256x1024xi32>
    %add3A_982 = arith.addi %add3A_973, %xor3A_981 : vector<256x1024xi32>
    %shift_left3A_983 = arith.constant 16 : i32
    %shift_left3A_984 = vector.broadcast %shift_left3A_983 : i32 to vector<256x1024xi32>
    %shift_left3A_985 = arith.shli %xor3A_981, %shift_left3A_984 : vector<256x1024xi32>
    %shift_right_logical3A_986 = arith.constant 16 : i32
    %shift_right_logical3A_987 = vector.broadcast %shift_right_logical3A_986 : i32 to vector<256x1024xi32>
    %shift_right_logical3A_988 = arith.shrui %xor3A_981, %shift_right_logical3A_987 : vector<256x1024xi32>
    %or3A_989 = arith.ori %shift_left3A_985, %shift_right_logical3A_988 : vector<256x1024xi32>
    %xor3A_990 = arith.xori %or3A_989, %add3A_982 : vector<256x1024xi32>
    %add3A_991 = arith.addi %add3A_982, %xor3A_990 : vector<256x1024xi32>
    %shift_left3A_992 = arith.constant 24 : i32
    %shift_left3A_993 = vector.broadcast %shift_left3A_992 : i32 to vector<256x1024xi32>
    %shift_left3A_994 = arith.shli %xor3A_990, %shift_left3A_993 : vector<256x1024xi32>
    %shift_right_logical3A_995 = arith.constant 8 : i32
    %shift_right_logical3A_996 = vector.broadcast %shift_right_logical3A_995 : i32 to vector<256x1024xi32>
    %shift_right_logical3A_997 = arith.shrui %xor3A_990, %shift_right_logical3A_996 : vector<256x1024xi32>
    %or3A_998 = arith.ori %shift_left3A_994, %shift_right_logical3A_997 : vector<256x1024xi32>
    %xor3A_999 = arith.xori %or3A_998, %add3A_991 : vector<256x1024xi32>
    %add3A_1000 = arith.constant 1724713080 : i32
    %add3A_1001 = vector.broadcast %add3A_1000 : i32 to vector<256x1024xi32>
    %add3A_1002 = arith.addi %add3A_991, %add3A_1001 : vector<256x1024xi32>
    %add3A_1003 = arith.constant 1832780945 : i32
    %add3A_1004 = vector.broadcast %add3A_1003 : i32 to vector<256x1024xi32>
    %add3A_1005 = arith.addi %xor3A_999, %add3A_1004 : vector<256x1024xi32>
    %add3A_1006 = arith.addi %add3A_1002, %add3A_1005 : vector<256x1024xi32>
    %shift_left3A_1007 = arith.constant 13 : i32
    %shift_left3A_1008 = vector.broadcast %shift_left3A_1007 : i32 to vector<256x1024xi32>
    %shift_left3A_1009 = arith.shli %add3A_1005, %shift_left3A_1008 : vector<256x1024xi32>
    %shift_right_logical3A_1010 = arith.constant 19 : i32
    %shift_right_logical3A_1011 = vector.broadcast %shift_right_logical3A_1010 : i32 to vector<256x1024xi32>
    %shift_right_logical3A_1012 = arith.shrui %add3A_1005, %shift_right_logical3A_1011 : vector<256x1024xi32>
    %or3A_1013 = arith.ori %shift_left3A_1009, %shift_right_logical3A_1012 : vector<256x1024xi32>
    %xor3A_1014 = arith.xori %or3A_1013, %add3A_1006 : vector<256x1024xi32>
    %add3A_1015 = arith.addi %add3A_1006, %xor3A_1014 : vector<256x1024xi32>
    %shift_left3A_1016 = arith.constant 15 : i32
    %shift_left3A_1017 = vector.broadcast %shift_left3A_1016 : i32 to vector<256x1024xi32>
    %shift_left3A_1018 = arith.shli %xor3A_1014, %shift_left3A_1017 : vector<256x1024xi32>
    %shift_right_logical3A_1019 = arith.constant 17 : i32
    %shift_right_logical3A_1020 = vector.broadcast %shift_right_logical3A_1019 : i32 to vector<256x1024xi32>
    %shift_right_logical3A_1021 = arith.shrui %xor3A_1014, %shift_right_logical3A_1020 : vector<256x1024xi32>
    %or3A_1022 = arith.ori %shift_left3A_1018, %shift_right_logical3A_1021 : vector<256x1024xi32>
    %xor3A_1023 = arith.xori %or3A_1022, %add3A_1015 : vector<256x1024xi32>
    %add3A_1024 = arith.addi %add3A_1015, %xor3A_1023 : vector<256x1024xi32>
    %shift_left3A_1025 = arith.constant 26 : i32
    %shift_left3A_1026 = vector.broadcast %shift_left3A_1025 : i32 to vector<256x1024xi32>
    %shift_left3A_1027 = arith.shli %xor3A_1023, %shift_left3A_1026 : vector<256x1024xi32>
    %shift_right_logical3A_1028 = arith.constant 6 : i32
    %shift_right_logical3A_1029 = vector.broadcast %shift_right_logical3A_1028 : i32 to vector<256x1024xi32>
    %shift_right_logical3A_1030 = arith.shrui %xor3A_1023, %shift_right_logical3A_1029 : vector<256x1024xi32>
    %or3A_1031 = arith.ori %shift_left3A_1027, %shift_right_logical3A_1030 : vector<256x1024xi32>
    %xor3A_1032 = arith.xori %or3A_1031, %add3A_1024 : vector<256x1024xi32>
    %add3A_1033 = arith.addi %add3A_1024, %xor3A_1032 : vector<256x1024xi32>
    %shift_left3A_1034 = arith.constant 6 : i32
    %shift_left3A_1035 = vector.broadcast %shift_left3A_1034 : i32 to vector<256x1024xi32>
    %shift_left3A_1036 = arith.shli %xor3A_1032, %shift_left3A_1035 : vector<256x1024xi32>
    %shift_right_logical3A_1037 = arith.constant 26 : i32
    %shift_right_logical3A_1038 = vector.broadcast %shift_right_logical3A_1037 : i32 to vector<256x1024xi32>
    %shift_right_logical3A_1039 = arith.shrui %xor3A_1032, %shift_right_logical3A_1038 : vector<256x1024xi32>
    %or3A_1040 = arith.ori %shift_left3A_1036, %shift_right_logical3A_1039 : vector<256x1024xi32>
    %xor3A_1041 = arith.xori %or3A_1040, %add3A_1033 : vector<256x1024xi32>
    %add3A_1042 = arith.constant 1832780943 : i32
    %add3A_1043 = vector.broadcast %add3A_1042 : i32 to vector<256x1024xi32>
    %add3A_1044 = arith.addi %add3A_1033, %add3A_1043 : vector<256x1024xi32>
    %add3A_1045 = arith.constant 270669616 : i32
    %add3A_1046 = vector.broadcast %add3A_1045 : i32 to vector<256x1024xi32>
    %add3A_1047 = arith.addi %xor3A_1041, %add3A_1046 : vector<256x1024xi32>
    %add3A_1048 = arith.addi %add3A_1044, %add3A_1047 : vector<256x1024xi32>
    %shift_left3A_1049 = arith.constant 17 : i32
    %shift_left3A_1050 = vector.broadcast %shift_left3A_1049 : i32 to vector<256x1024xi32>
    %shift_left3A_1051 = arith.shli %add3A_1047, %shift_left3A_1050 : vector<256x1024xi32>
    %shift_right_logical3A_1052 = arith.constant 15 : i32
    %shift_right_logical3A_1053 = vector.broadcast %shift_right_logical3A_1052 : i32 to vector<256x1024xi32>
    %shift_right_logical3A_1054 = arith.shrui %add3A_1047, %shift_right_logical3A_1053 : vector<256x1024xi32>
    %or3A_1055 = arith.ori %shift_left3A_1051, %shift_right_logical3A_1054 : vector<256x1024xi32>
    %xor3A_1056 = arith.xori %or3A_1055, %add3A_1048 : vector<256x1024xi32>
    %add3A_1057 = arith.addi %add3A_1048, %xor3A_1056 : vector<256x1024xi32>
    %shift_left3A_1058 = arith.constant 29 : i32
    %shift_left3A_1059 = vector.broadcast %shift_left3A_1058 : i32 to vector<256x1024xi32>
    %shift_left3A_1060 = arith.shli %xor3A_1056, %shift_left3A_1059 : vector<256x1024xi32>
    %shift_right_logical3A_1061 = arith.constant 3 : i32
    %shift_right_logical3A_1062 = vector.broadcast %shift_right_logical3A_1061 : i32 to vector<256x1024xi32>
    %shift_right_logical3A_1063 = arith.shrui %xor3A_1056, %shift_right_logical3A_1062 : vector<256x1024xi32>
    %or3A_1064 = arith.ori %shift_left3A_1060, %shift_right_logical3A_1063 : vector<256x1024xi32>
    %xor3A_1065 = arith.xori %or3A_1064, %add3A_1057 : vector<256x1024xi32>
    %add3A_1066 = arith.addi %add3A_1057, %xor3A_1065 : vector<256x1024xi32>
    %shift_left3A_1067 = arith.constant 16 : i32
    %shift_left3A_1068 = vector.broadcast %shift_left3A_1067 : i32 to vector<256x1024xi32>
    %shift_left3A_1069 = arith.shli %xor3A_1065, %shift_left3A_1068 : vector<256x1024xi32>
    %shift_right_logical3A_1070 = arith.constant 16 : i32
    %shift_right_logical3A_1071 = vector.broadcast %shift_right_logical3A_1070 : i32 to vector<256x1024xi32>
    %shift_right_logical3A_1072 = arith.shrui %xor3A_1065, %shift_right_logical3A_1071 : vector<256x1024xi32>
    %or3A_1073 = arith.ori %shift_left3A_1069, %shift_right_logical3A_1072 : vector<256x1024xi32>
    %xor3A_1074 = arith.xori %or3A_1073, %add3A_1066 : vector<256x1024xi32>
    %add3A_1075 = arith.addi %add3A_1066, %xor3A_1074 : vector<256x1024xi32>
    %shift_left3A_1076 = arith.constant 24 : i32
    %shift_left3A_1077 = vector.broadcast %shift_left3A_1076 : i32 to vector<256x1024xi32>
    %shift_left3A_1078 = arith.shli %xor3A_1074, %shift_left3A_1077 : vector<256x1024xi32>
    %shift_right_logical3A_1079 = arith.constant 8 : i32
    %shift_right_logical3A_1080 = vector.broadcast %shift_right_logical3A_1079 : i32 to vector<256x1024xi32>
    %shift_right_logical3A_1081 = arith.shrui %xor3A_1074, %shift_right_logical3A_1080 : vector<256x1024xi32>
    %or3A_1082 = arith.ori %shift_left3A_1078, %shift_right_logical3A_1081 : vector<256x1024xi32>
    %xor3A_1083 = arith.xori %or3A_1082, %add3A_1075 : vector<256x1024xi32>
    %add3A_1084 = arith.constant 270669613 : i32
    %add3A_1085 = vector.broadcast %add3A_1084 : i32 to vector<256x1024xi32>
    %add3A_1086 = arith.addi %add3A_1075, %add3A_1085 : vector<256x1024xi32>
    %add3A_1087 = arith.constant 1724713084 : i32
    %add3A_1088 = vector.broadcast %add3A_1087 : i32 to vector<256x1024xi32>
    %add3A_1089 = arith.addi %xor3A_1083, %add3A_1088 : vector<256x1024xi32>
    %add3A_1090 = arith.addi %add3A_1086, %add3A_1089 : vector<256x1024xi32>
    %shift_left3A_1091 = arith.constant 13 : i32
    %shift_left3A_1092 = vector.broadcast %shift_left3A_1091 : i32 to vector<256x1024xi32>
    %shift_left3A_1093 = arith.shli %add3A_1089, %shift_left3A_1092 : vector<256x1024xi32>
    %shift_right_logical3A_1094 = arith.constant 19 : i32
    %shift_right_logical3A_1095 = vector.broadcast %shift_right_logical3A_1094 : i32 to vector<256x1024xi32>
    %shift_right_logical3A_1096 = arith.shrui %add3A_1089, %shift_right_logical3A_1095 : vector<256x1024xi32>
    %or3A_1097 = arith.ori %shift_left3A_1093, %shift_right_logical3A_1096 : vector<256x1024xi32>
    %xor3A_1098 = arith.xori %or3A_1097, %add3A_1090 : vector<256x1024xi32>
    %add3A_1099 = arith.addi %add3A_1090, %xor3A_1098 : vector<256x1024xi32>
    %shift_left3A_1100 = arith.constant 15 : i32
    %shift_left3A_1101 = vector.broadcast %shift_left3A_1100 : i32 to vector<256x1024xi32>
    %shift_left3A_1102 = arith.shli %xor3A_1098, %shift_left3A_1101 : vector<256x1024xi32>
    %shift_right_logical3A_1103 = arith.constant 17 : i32
    %shift_right_logical3A_1104 = vector.broadcast %shift_right_logical3A_1103 : i32 to vector<256x1024xi32>
    %shift_right_logical3A_1105 = arith.shrui %xor3A_1098, %shift_right_logical3A_1104 : vector<256x1024xi32>
    %or3A_1106 = arith.ori %shift_left3A_1102, %shift_right_logical3A_1105 : vector<256x1024xi32>
    %xor3A_1107 = arith.xori %or3A_1106, %add3A_1099 : vector<256x1024xi32>
    %add3A_1108 = arith.addi %add3A_1099, %xor3A_1107 : vector<256x1024xi32>
    %shift_left3A_1109 = arith.constant 26 : i32
    %shift_left3A_1110 = vector.broadcast %shift_left3A_1109 : i32 to vector<256x1024xi32>
    %shift_left3A_1111 = arith.shli %xor3A_1107, %shift_left3A_1110 : vector<256x1024xi32>
    %shift_right_logical3A_1112 = arith.constant 6 : i32
    %shift_right_logical3A_1113 = vector.broadcast %shift_right_logical3A_1112 : i32 to vector<256x1024xi32>
    %shift_right_logical3A_1114 = arith.shrui %xor3A_1107, %shift_right_logical3A_1113 : vector<256x1024xi32>
    %or3A_1115 = arith.ori %shift_left3A_1111, %shift_right_logical3A_1114 : vector<256x1024xi32>
    %xor3A_1116 = arith.xori %or3A_1115, %add3A_1108 : vector<256x1024xi32>
    %add3A_1117 = arith.addi %add3A_1108, %xor3A_1116 : vector<256x1024xi32>
    %shift_left3A_1118 = arith.constant 6 : i32
    %shift_left3A_1119 = vector.broadcast %shift_left3A_1118 : i32 to vector<256x1024xi32>
    %shift_left3A_1120 = arith.shli %xor3A_1116, %shift_left3A_1119 : vector<256x1024xi32>
    %shift_right_logical3A_1121 = arith.constant 26 : i32
    %shift_right_logical3A_1122 = vector.broadcast %shift_right_logical3A_1121 : i32 to vector<256x1024xi32>
    %shift_right_logical3A_1123 = arith.shrui %xor3A_1116, %shift_right_logical3A_1122 : vector<256x1024xi32>
    %or3A_1124 = arith.ori %shift_left3A_1120, %shift_right_logical3A_1123 : vector<256x1024xi32>
    %xor3A_1125 = arith.xori %or3A_1124, %add3A_1117 : vector<256x1024xi32>
    %add3A_1126 = arith.constant 1724713080 : i32
    %add3A_1127 = vector.broadcast %add3A_1126 : i32 to vector<256x1024xi32>
    %add3A_1128 = arith.addi %add3A_1117, %add3A_1127 : vector<256x1024xi32>
    %add3A_1129 = arith.constant 1832780948 : i32
    %add3A_1130 = vector.broadcast %add3A_1129 : i32 to vector<256x1024xi32>
    %add3A_1131 = arith.addi %xor3A_1125, %add3A_1130 : vector<256x1024xi32>
    %xor3A_1132 = arith.xori %add3A_1128, %add3A_1131 : vector<256x1024xi32>
    %shift_right_logical3A_1133 = arith.constant 9 : i32
    %shift_right_logical3A_1134 = vector.broadcast %shift_right_logical3A_1133 : i32 to vector<256x1024xi32>
    %shift_right_logical3A_1135 = arith.shrui %xor3A_1132, %shift_right_logical3A_1134 : vector<256x1024xi32>
    %convert_element_type3A_1136 = arith.sitofp %shift_right_logical3A_1135 : vector<256x1024xi32> to vector<256x1024xf32>
    %mul3A_1137 = arith.constant 1.1920929E-7 : f32
    %mul3A_1138 = vector.broadcast %mul3A_1137 : f32 to vector<256x1024xf32>
    %mul3A_1139 = arith.mulf %convert_element_type3A_1136, %mul3A_1138 : vector<256x1024xf32>
    %max3A_1140 = arith.constant 1.17549435E-38 : f32
    %max3A_1141 = vector.broadcast %max3A_1140 : f32 to vector<256x1024xf32>
    %max3A_1142 = arith.maximumf %mul3A_1139, %max3A_1141 : vector<256x1024xf32>
    %log3A_1143 = math.log %max3A_1142 : vector<256x1024xf32>
    %neg3A_1144 = arith.constant 0.000000e+00 : f32
    %neg3A_1145 = vector.broadcast %neg3A_1144 : f32 to vector<256x1024xf32>
    %neg3A_1146 = arith.subf %neg3A_1145, %log3A_1143 : vector<256x1024xf32>
    %log3A_1147 = math.log %neg3A_1146 : vector<256x1024xf32>
    %neg3A_1148 = arith.constant 0.000000e+00 : f32
    %neg3A_1149 = vector.broadcast %neg3A_1148 : f32 to vector<256x1024xf32>
    %neg3A_1150 = arith.subf %neg3A_1149, %log3A_1147 : vector<256x1024xf32>
    %add3A_1151 = vector.broadcast %get3A_898 : vector<1x1024xf32> to vector<256x1024xf32>
    %add3A_1152 = arith.addf %neg3A_1150, %add3A_1151 : vector<256x1024xf32>
    %reduce_max3A_1153 = arith.constant dense<0xFF800000> : vector<256xf32>
    %reduce_max3A_1154 = vector.multi_reduction <maximumf>, %add3A_1152, %reduce_max3A_1153 [1] : vector<256x1024xf32> to vector<256xf32>
    %broadcast_in_dim3A_1155 = vector.shape_cast %reduce_max3A_1154 : vector<256xf32> to vector<256x1xf32>
    %eq3A_1156 = vector.broadcast %broadcast_in_dim3A_1155 : vector<256x1xf32> to vector<256x1024xf32>
    %eq3A_1157 = arith.cmpf oeq, %add3A_1152, %eq3A_1156 : vector<256x1024xf32>
    %jit3A_1158 = arith.constant 1073741824 : i32
    %broadcast_in_dim3A_1159 = vector.broadcast %jit3A_1158 : i32 to vector<256x1024xi32>
    %select_n3A_1160 = arith.select %eq3A_1157, %iota3A_2, %broadcast_in_dim3A_1159 : vector<256x1024xi1>, vector<256x1024xi32>
    %reduce_min3A_1161 = arith.constant dense<2147483647> : vector<256xi32>
    %reduce_min3A_1162 = vector.multi_reduction <minsi>, %select_n3A_1160, %reduce_min3A_1161 [1] : vector<256x1024xi32> to vector<256xi32>
    %broadcast_in_dim3A_1163 = vector.shape_cast %reduce_min3A_1162 : vector<256xi32> to vector<256x1xi32>
    %eq3A_1164 = vector.broadcast %broadcast_in_dim3A_1163 : vector<256x1xi32> to vector<256x1024xi32>
    %eq3A_1165 = arith.cmpi eq, %iota3A_2, %eq3A_1164 : vector<256x1024xi32>
    %jit3A_1166 = arith.constant 0.000000e+00 : f32
    %broadcast_in_dim3A_1167 = vector.shape_cast %get3A_898 : vector<1x1024xf32> to vector<1x1024xf32>
    %broadcast_in_dim3A_1168 = vector.broadcast %broadcast_in_dim3A_1167 : vector<1x1024xf32> to vector<256x1024xf32>
    %broadcast_in_dim3A_1169 = vector.broadcast %jit3A_1166 : f32 to vector<256x1024xf32>
    %select_n3A_1170 = arith.select %eq3A_1165, %broadcast_in_dim3A_1168, %broadcast_in_dim3A_1169 : vector<256x1024xi1>, vector<256x1024xf32>
    %reduce_sum3A_1171 = arith.constant dense<0.000000e+00> : vector<256xf32>
    %reduce_sum3A_1172 = vector.multi_reduction <add>, %select_n3A_1170, %reduce_sum3A_1171 [1] : vector<256x1024xf32> to vector<256xf32>
    %broadcast_in_dim3A_1173 = vector.shape_cast %reduce_sum3A_1172 : vector<256xf32> to vector<256x1xf32>
    %jit3A_1174 = arith.constant 0.000000e+00 : f32
    %broadcast_in_dim3A_1175 = vector.shape_cast %get3A_4 : vector<1x1024xf32> to vector<1x1024xf32>
    %broadcast_in_dim3A_1176 = vector.broadcast %broadcast_in_dim3A_1175 : vector<1x1024xf32> to vector<256x1024xf32>
    %broadcast_in_dim3A_1177 = vector.broadcast %jit3A_1174 : f32 to vector<256x1024xf32>
    %select_n3A_1178 = arith.select %eq3A_1165, %broadcast_in_dim3A_1176, %broadcast_in_dim3A_1177 : vector<256x1024xi1>, vector<256x1024xf32>
    %reduce_sum3A_1179 = arith.constant dense<0.000000e+00> : vector<256xf32>
    %reduce_sum3A_1180 = vector.multi_reduction <add>, %select_n3A_1178, %reduce_sum3A_1179 [1] : vector<256x1024xf32> to vector<256xf32>
    %broadcast_in_dim3A_1181 = vector.shape_cast %reduce_sum3A_1180 : vector<256xf32> to vector<256x1xf32>
    %logistic3A_1182 = arith.negf %broadcast_in_dim3A_1181 : vector<256x1xf32>
    %logistic3A_1183 = math.exp %logistic3A_1182 : vector<256x1xf32>
    %logistic3A_1184 = arith.constant 1.000000e+00 : f32
    %logistic3A_1185 = vector.broadcast %logistic3A_1184 : f32 to vector<256x1xf32>
    %logistic3A_1186 = arith.addf %logistic3A_1185, %logistic3A_1183 : vector<256x1xf32>
    %logistic3A_1187 = arith.divf %logistic3A_1185, %logistic3A_1186 : vector<256x1xf32>
    %log3A_1188 = math.log %logistic3A_1187 : vector<256x1xf32>
    %neg3A_1189 = arith.constant 0.000000e+00 : f32
    %neg3A_1190 = vector.broadcast %neg3A_1189 : f32 to vector<256x1xf32>
    %neg3A_1191 = arith.subf %neg3A_1190, %log3A_1188 : vector<256x1xf32>
    %slice3A_1192 = vector.extract_strided_slice %get3A_11 {offsets = [0, 3], sizes = [256, 1], strides = [1, 1]} : vector<256x4xf32> to vector<256x1xf32>
    %mul3A_1193 = arith.mulf %slice3A_1192, %logistic3A_1187 : vector<256x1xf32>
    %sub3A_1194 = vector.broadcast %add3A_913 : f32 to vector<256x1xf32>
    %sub3A_1195 = arith.subf %broadcast_in_dim3A_1173, %sub3A_1194 : vector<256x1xf32>
    %add3A_1196 = arith.addf %sub3A_1195, %neg3A_1191 : vector<256x1xf32>
    %concatenate3A = tpu.concatenate %broadcast_in_dim3A_262, %broadcast_in_dim3A_561, %broadcast_in_dim3A_862, %broadcast_in_dim3A_1163 in 1 : vector<256x1xi32>, vector<256x1xi32>, vector<256x1xi32>, vector<256x1xi32> -> vector<256x4xi32>
    %swap3A = arith.constant 0 : index
    %swap3A_1197 = arith.constant 0 : index
    %swap3A_1198 = vector.load %arg4[%swap3A, %swap3A_1197] : memref<256x4xi32, #tpu.memory_space<vmem>>, vector<256x4xi32>
    tpu.vector_store %arg4[%swap3A, %swap3A_1197], %concatenate3A {strides = array<i32>} : memref<256x4xi32, #tpu.memory_space<vmem>>, vector<256x4xi32>,
    %concatenate3A_1199 = tpu.concatenate %mul3A_290, %mul3A_591, %mul3A_892, %mul3A_1193 in 1 : vector<256x1xf32>, vector<256x1xf32>, vector<256x1xf32>, vector<256x1xf32> -> vector<256x4xf32>
    %swap3A_1200 = arith.constant 0 : index
    %swap3A_1201 = arith.constant 0 : index
    %swap3A_1202 = vector.load %arg5[%swap3A_1200, %swap3A_1201] : memref<256x4xf32, #tpu.memory_space<vmem>>, vector<256x4xf32>
    tpu.vector_store %arg5[%swap3A_1200, %swap3A_1201], %concatenate3A_1199 {strides = array<i32>} : memref<256x4xf32, #tpu.memory_space<vmem>>, vector<256x4xf32>,
    %concatenate3A_1203 = tpu.concatenate %add3A_293, %add3A_594, %add3A_895, %add3A_1196 in 1 : vector<256x1xf32>, vector<256x1xf32>, vector<256x1xf32>, vector<256x1xf32> -> vector<256x4xf32>
    %swap3A_1204 = arith.constant 0 : index
    %swap3A_1205 = arith.constant 0 : index
    %swap3A_1206 = vector.load %arg6[%swap3A_1204, %swap3A_1205] : memref<256x4xf32, #tpu.memory_space<vmem>>, vector<256x4xf32>
    tpu.vector_store %arg6[%swap3A_1204, %swap3A_1205], %concatenate3A_1203 {strides = array<i32>} : memref<256x4xf32, #tpu.memory_space<vmem>>, vector<256x4xf32>,
    return
  }
  func.func @transform_0(%arg0: i32) -> (i32, i32) {
    %c0_i32 = arith.constant 0 : i32
    %c0_i32_0 = arith.constant 0 : i32
    %c0_i32_1 = arith.constant 0 : i32
    return %c0_i32, %c0_i32_0 : i32, i32
  }
  func.func @transform_1(%arg0: i32) -> (i32, i32) {
    %c0_i32 = arith.constant 0 : i32
    %c0_i32_0 = arith.constant 0 : i32
    %c0_i32_1 = arith.constant 0 : i32
    return %c0_i32, %c0_i32_0 : i32, i32
  }
  func.func @transform_2(%arg0: i32) -> (i32, i32) {
    %c0_i32 = arith.constant 0 : i32
    %c0_i32_0 = arith.constant 0 : i32
    return %arg0, %c0_i32 : i32, i32
  }
  func.func @transform_3(%arg0: i32) -> (i32, i32) {
    %c0_i32 = arith.constant 0 : i32
    %c0_i32_0 = arith.constant 0 : i32
    return %arg0, %c0_i32 : i32, i32
  }
  func.func @transform_4(%arg0: i32) -> (i32, i32) {
    %c0_i32 = arith.constant 0 : i32
    %c0_i32_0 = arith.constant 0 : i32
    return %arg0, %c0_i32 : i32, i32
  }
  func.func @transform_5(%arg0: i32) -> (i32, i32) {
    %c0_i32 = arith.constant 0 : i32
    %c0_i32_0 = arith.constant 0 : i32
    return %arg0, %c0_i32 : i32, i32
  }
}

</mosaic_0001>

<sc_bundles>
// kernel: kernel.4.cloned.1.call-start
scs
__scs_entry_jumppad:
0x0: {  	(pc) =	sbr.rel $0x88, $3  }
0x1: {  	(tag) =	ssettag $0x0;
	lr =	simm.s32 $0x1  }
0x2: {  	[smem:$0x3F9F] =	sst lr;
	_ =	strace $0xD0000000  }
0x3: {  	_ = 	snop  }
0x4: {  	_ = 	snop  }
0x5: {  	_ = 	snop  }
0x6: {  	_ = 	snop  }
0x7: {  	_ = 	snop  }
__scs_overlays_trampoline_lowered:
0x8: {  	[smem:$0x3FAE] =	sst s0  }
0x9: {  	[smem:$0x3FAF] =	sst s1  }
0xa: {  	[smem:$0x3FB0] =	sst s2  }
0xb: {  	[smem:$0x3FB1] =	sst s3  }
0xc: {  	[smem:$0x3FB2] =	sst s4  }
0xd: {  	[smem:$0x3FB3] =	sst s5  }
0xe: {  	[smem:$0x3FB4] =	sst s6  }
0xf: {  	[smem:$0x3FB5] =	sst s7  }
0x10: {  	[smem:$0x3FB6] =	sst s8  }
0x11: {  	[smem:$0x3FB7] =	sst s9;
	s0 =	simm.s32 @!p0 $0x0  }
0x12: {  	s1 =	sld [smem:$0x3F9D];
	s0 =	simm.s32 @p0 $0x1  }
0x13: {  	[smem:$0x3FB8] =	sst s0;
	s0 =	simm.s32 @!p1 $0x0  }
0x14: {  	s2 =	sld [smem:$0x3F9C];
	s0 =	simm.s32 @p1 $0x1  }
0x15: {  	[smem:$0x3FB9] =	sst s0;
	s0 =	simm.s32 @!p2 $0x0  }
0x16: {  	s3 =	sld [smem:$0x3FDB];
	s0 =	simm.s32 @p2 $0x1  }
0x17: {  	s4 =	simm.s32 $0x1BF5;
	[smem:$0x3FBB] =	sst s0  }
0x18: {  	s0 =	sld [smem:$0x3F9E];
	_ =	swait.ge [sflag:s4], $0x0  }
0x19: {  	s7 =	sld [smem:$0x3F9F]  }
0x1a: {  	s8 =	sadd.s32 $0xFFFFE003, lr  }
0x1b: {  	s9 =	sadd.s32 $0xFFFFFEF7, lr;
	s5 =	simm.s32 $0xFFFFFFFF;
	p2 =	slt.u32 s8, $0xFFFFF086  }
0x1c: {  	p1 =	slt.u32 s9, $0xF7A;
	s5 =	simm.s32 @!p2 $0x0  }
0x1d: {  	s5 =	simm.s32 @p1 $0x1;
	p0 =	seq.s32 s7, s2  }
0x1e: {  	s7 =	smul.u32 @!p0 $0xF7A, s2;
	p2 =	seq.s32 @!p0 s5, $0x0  }
0x1f: {  	s9 =	smul.u32 $0xF7A, s1;
	s8 =	simm.s32 @!p0 $0x1BF5;
	p2 =	por !p2, p0  }
0x20: {  	[sflag:s8] =	ssyncset.s32 @!p0 $0xFFFFF086;
	s6 =	sadd.s32 @!p0 s3, s7;
	s7 =	simm.s32 @!p0 $0x108  }
0x21: {  	s3 =	sadd.s32 s3, s9;
	s6 =	sadd.s32 @!p0 $0x88, s6;
	s7 =	simm.s32 @p2 $0x1082  }
0x22: {  	[simem:s7], [sflag:s8] =	dma.local @!p0 [hbm:s6], $0xF7A  }
0x23: {  	s9 =	sor.u32 $0xD0000000, s2;
	s6 =	simm.s32 $0x108;
	_ =	swait.ge @!p0 [sflag:s8], $0x0  }
0x24: {  	s3 =	sadd.s32 $0x88, s3;
	s6 =	simm.s32 @!p1 $0x1082;
	[sflag:s4] =	ssyncset.s32 $0xFFFFF086  }
0x25: {  	[simem:s6], [sflag:s4] =	dma.local [hbm:s3], $0xF7A  }
0x26: {  	[smem:$0x3F9F] =	sst s1;
	(tag) =	ssettag s2;
	_ =	strace s9  }
0x27: {  	s1 =	sld [smem:$0x3FAF]  }
0x28: {  	s2 =	sld [smem:$0x3FB0]  }
0x29: {  	s4 =	sld [smem:$0x3FB2]  }
0x2a: {  	p0 =	seq.s32 s5, $0x0;
	s5 =	sld [smem:$0x3FB3]  }
0x2b: {  	s6 =	sld [smem:$0x3FB4]  }
0x2c: {  	s7 =	sld [smem:$0x3FB5]  }
0x2d: {  	s3 =	simm.s32 $0x108;
	s8 =	sld [smem:$0x3FB6]  }
0x2e: {  	s3 =	simm.s32 @!p0 $0x1082;
	s9 =	sld [smem:$0x3FB7]  }
0x2f: {  	lr =	sadd.s32 s0, s3;
	s0 =	sld [smem:$0x3FAE]  }
0x30: {  	s3 =	sld [smem:$0x3FB1]  }
0x31: {  	[smem:$0x3FBA] =	sst s10  }
0x32: {  	s10 =	sld [smem:$0x3FB8];
	_ =	sdelay $0x3  }
0x33: {  	p0 =	seq.s32 s10, $0x1;
	s10 =	sld [smem:$0x3FBA];
	_ =	sdelay $0x3  }
0x34: {  	[smem:$0x3FBA] =	sst s10  }
0x35: {  	s10 =	sld [smem:$0x3FB9];
	_ =	sdelay $0x3  }
0x36: {  	p1 =	seq.s32 s10, $0x1;
	s10 =	sld [smem:$0x3FBA];
	_ =	sdelay $0x3  }
0x37: {  	[smem:$0x3FBA] =	sst s10  }
0x38: {  	s10 =	sld [smem:$0x3FBB]  }
0x39: {  	_ = 	snop;
	(pc) =	sbr.ind lr, $3  }
0x3a: {  	_ = 	snop  }
0x3b: {  	_ = 	snop  }
0x3c: {  	p2 =	seq.s32 s10, $0x1;
	s10 =	sld [smem:$0x3FBA]  }
0x3d: {  	_ =	shalt  }
0x3e: {  	_ =	shalt  }
0x3f: {  	_ =	shalt  }
0x40: {  	_ =	shalt  }
0x41: {  	_ =	shalt  }
0x42: {  	_ =	shalt  }
0x43: {  	_ =	shalt  }
0x44: {  	_ =	shalt  }
0x45: {  	_ =	shalt  }
0x46: {  	_ =	shalt  }
0x47: {  	_ =	shalt  }
0x48: {  	_ =	shalt  }
0x49: {  	_ =	shalt  }
0x4a: {  	_ =	shalt  }
0x4b: {  	_ =	shalt  }
0x4c: {  	_ =	shalt  }
0x4d: {  	_ =	shalt  }
0x4e: {  	_ =	shalt  }
0x4f: {  	_ =	shalt  }
0x50: {  	_ =	shalt  }
0x51: {  	_ =	shalt  }
0x52: {  	_ =	shalt  }
0x53: {  	_ =	shalt  }
0x54: {  	_ =	shalt  }
0x55: {  	_ =	shalt  }
0x56: {  	_ =	shalt  }
0x57: {  	_ =	shalt  }
0x58: {  	_ =	shalt  }
0x59: {  	_ =	shalt  }
0x5a: {  	_ =	shalt  }
0x5b: {  	_ =	shalt  }
0x5c: {  	_ =	shalt  }
0x5d: {  	_ =	shalt  }
0x5e: {  	_ =	shalt  }
0x5f: {  	_ =	shalt  }
0x60: {  	_ =	shalt  }
0x61: {  	_ =	shalt  }
0x62: {  	_ =	shalt  }
0x63: {  	_ =	shalt  }
0x64: {  	_ =	shalt  }
0x65: {  	_ =	shalt  }
0x66: {  	_ =	shalt  }
0x67: {  	_ =	shalt  }
0x68: {  	_ =	shalt  }
0x69: {  	_ =	shalt  }
0x6a: {  	_ =	shalt  }
0x6b: {  	_ =	shalt  }
0x6c: {  	_ =	shalt  }
0x6d: {  	_ =	shalt  }
0x6e: {  	_ =	shalt  }
0x6f: {  	_ =	shalt  }
0x70: {  	_ =	shalt  }
0x71: {  	_ =	shalt  }
0x72: {  	_ =	shalt  }
0x73: {  	_ =	shalt  }
0x74: {  	_ =	shalt  }
0x75: {  	_ =	shalt  }
0x76: {  	_ =	shalt  }
0x77: {  	_ =	shalt  }
0x78: {  	_ =	shalt  }
0x79: {  	_ =	shalt  }
0x7a: {  	_ =	shalt  }
0x7b: {  	_ =	shalt  }
0x7c: {  	_ =	shalt  }
0x7d: {  	_ =	shalt  }
0x7e: {  	_ =	shalt  }
0x7f: {  	_ =	shalt  }
0x80: {  	_ =	shalt  }
0x81: {  	_ =	shalt  }
0x82: {  	_ =	shalt  }
0x83: {  	_ =	shalt  }
0x84: {  	_ =	shalt  }
0x85: {  	_ =	shalt  }
0x86: {  	_ =	shalt  }
0x87: {  	_ =	shalt  }
.Lfunc_end0:
.L_simem_size_0:
called_computation_lowered:
.L_overlay_start_0:
0x88: {  	s2 =	sld [smem:$0x3FD9]  }
0x89: {  	s3 =	sld [smem:$0x3FFE];
	_ =	sdelay $0x1  }
0x8a: {  	s1 =	srdreg.scid  }
0x8b: {  	s0 =	sand.u32 $0x1, s1  }
0x8c: {  	s15 =	sshll.u32 s0, $0xA;
	s2 =	sadd.s32 s3, s2  }
0x8d: {  	s2 =	sadd.s32 s2, s15  }
0x8e: {  	[smem:$0x3FC6] =	sst s2  }
0x8f: {  	_ = 	snop  }
0x90: {  	s2 =	sld [smem:$0x3FD0];
	_ =	sdelay $0x2  }
0x91: {  	s16 =	simm.s32 $0xA;
	s4 =	simm.s32 $0x10  }
0x92: {  	[smem:s4], [sflag:s16] =	dma.local [hbm:s2], $0x1  }
0x93: {  	_ =	swait.eq [sflag:s16], $0x1  }
0x94: {  	[sflag:s16] =	ssyncset.done $0x0  }
0x95: {  	[sflag:s16] =	ssyncadd.s32 $0xFFFFFFFF  }
0x96: {  	s17 =	sld [smem:$0x12];
	(tm) =	ssettm $0x1  }
0x97: {  	s18 =	sld [smem:$0x3FFB];
	_ =	sdelay $0x3  }
0x98: {  	_ =	strace s18  }
0x99: {  	s3 =	sld [smem:$0x3FFC];
	_ =	sdelay $0x3  }
0x9a: {  	_ =	strace s3  }
0x9b: {  	s3 =	sld [smem:$0x3FFD];
	_ =	sdelay $0x3  }
0x9c: {  	_ =	strace s3  }
0x9d: {  	_ =	strace $0x8FFFFFFF  }
0x9e: {  	s19 =	sld [smem:$0x3FDB];
	_ =	sdelay $0x1  }
0x9f: {  	s20 =	simm.s32 $_scs_section_size  }
0xa0: {  	s5 =	simm.s32 $_size__tile_overlayer_lowered;
	s6 =	simm.s32 $_tile_overlayer_lowered  }
0xa1: {  	s23 =	simm.s32 $0x1BFF;
	s22 =	sshll.u32 s6, $0x1;
	s3 =	sadd.s32 s20, s19  }
0xa2: {  	s7 =	simm.s32 $0x0;
	s21 =	sshll.u32 s5, $0x1;
	s5 =	sadd.s32 s22, s3  }
0xa3: {  	[timem:s7], [sflag:s23] =	dma.local [hbm:s5], s21  }
0xa4: {  	_ =	swait.ge [sflag:s23], s21  }
0xa5: {  	s4 =	ssub.s32 $0x0, s21;
	[sflag:s23] =	ssyncset.done $0x0  }
0xa6: {  	[sflag:s23] =	ssyncadd.s32 s4;
	_ =	sdelay $0x1  }
0xa7: {  	s24 =	simm.s32 $0x1B8B  }
0xa8: {  	_ =	swait.ge [sflag:s24], $0x1  }
0xa9: {  	[sflag:s24] =	ssyncset.done $0x0  }
0xaa: {  	s25 =	simm.s32 $0x1B8E;
	[sflag:s24] =	ssyncadd.s32 $0xFFFFFFFF  }
0xab: {  	s26 =	simm.s32 $execute0_lowered;
	[smem:$0x3FD2] =	sst s25  }
0xac: {  	s4 =	sshll.u32 s26, $0x1;
	_ =	strace $0x80000046;
	[dreg:$0x1] =	wrdreg $0xFFFFFFFF  }
0xad: {  	s28 =	simm.s32 $_size_execute0_lowered;
	s3 =	sadd.s32 s3, s4;
	[dreg:$0x0] =	wrdreg $0x0  }
0xae: {  	s4 =	sshll.u32 s28, $0x1;
	[dreg:$0x2] =	wrdreg s3  }
0xaf: {  	[dreg:$0x3] =	wrdreg s4  }
0xb0: {  	[dreg:$0x4] =	wrdreg $0xC0  }
0xb1: {  	_ =	task [dreg:s7], $0x5FFFF  }
0xb2: {  	[dreg:$0x1] =	wrdreg $0xFFFFFFFF  }
0xb3: {  	[dreg:$0x0] =	wrdreg $0x60  }
0xb4: {  	[dreg:$0x2] =	wrdreg s17  }
0xb5: {  	[dreg:$0x3] =	wrdreg $0x9  }
0xb6: {  	_ =	task.clear_ibuf [dreg:s7], $0x4FFFF;
	_ =	strace $0x90000046  }
0xb7: {  	s29 =	simm.s32 $0x9;
	_ =	strace $0x80000048  }
0xb8: {  	_ =	swait.ge [sflag:s29], $0x1  }
0xb9: {  	[sflag:s29] =	ssyncadd.s32 $0xFFFFFFFF  }
0xba: {  	_ =	strace $0x90000048  }
0xbb: {  	_ =	sfence  }
0xbc: {  	s30 =	sld [smem:$0x0];
	_ =	sdelay $0x2  }
0xbd: {  	s31 =	sshll.u32 s1, $0xD;
	s1 =	sshrl.u32 s1, $0x2  }
0xbe: {  	s3 =	sand.u32 $0x4000, s31;
	s1 =	sadd.s32 s1, s30  }
0xbf: {  	s0 =	sor.u32 s3, s0;
	s1 =	sshll.u32 s1, $0x11  }
0xc0: {  	s0 =	sor.u32 s1, s0  }
0xc1: {  	s0 =	sadd.s32 $0x8F2B, s0  }
0xc2: {  	[sflag:s0] =	ssyncadd.remote.s32 $0x1  }
0xc3: {  	_ =	sfence.sel $0xFFFF  }
0xc4: {  	[dreg:$0x0] =	wrdreg $0xFFFFFFFF;
	(pc) =	sbr.abs _section_cstart, $3  }
0xc5: {  	[dreg:$0x1] =	wrdreg $0xFFFFFFFF  }
0xc6: {  	_ =	task.clear_ibuf [dreg:s7], $0x2FFFF;
	_ =	strace $0x9FFFFFFF  }
0xc7: {  	(tm) =	ssettm $0x7FFFFFFF  }
tec
execute0_lowered:
.L_overlay_start_1:
0x0: {  	(tag) =	ssettag $0x1  }
0x1: {  	s0 =	srdreg.scid  }
0x2: {  	s4 =	rddreg [dreg:$0x0];
	s1 =	stileid.u32;
	s2 =	simm.s32 $0x0  }
0x3: {  	s3 =	sand.u32 $0x1, s0;
	s0 =	rddreg [dreg:$0x1];
	s5 =	sshll.u32 s1, $0xC  }
0x4: {  	[smem:$0x7FF] =	sst s2;
	s6 =	sshll.u32 s3, $0xB;
	s7 =	ssub.s32 $0x2, s3  }
0x5: {  	_ =	strace $0x80000047;
	s3 =	sor.u32 s6, s5;
	s31 =	sshrl.u32 s7, $0x1  }
0x6: {  	v1 =	vlaneseq.u32;
	s6 =	sshrl.u32 s3, $0x3;
	s5 =	ssub.s32 s7, s31;
	s7 =	simm.s32 $0x0  }
0x7: {  	v0 =	vadd.s32 $0xADD083F4, v1;
	v1 =	vadd.s32 $0xB1A83721, v1;
	s4 =	sadd.s32 s4, s6;
	s5 =	smax.u32 s5, $0x1;
	s6 =	simm.s32 $0x1  }
.LBB2_1:
0x8: {  	v2 =	vadd.s32 s3, v0  }
0x9: {  	v3 =	vshrl.u32 v2, $0x13;
	v2 =	vshll.u32 v2, $0xD  }
0xa: {  	v4 =	vadd.s32 s3, v1;
	v2 =	vor.u32 v3, v2  }
0xb: {  	v2 =	vxor.u32 v4, v2  }
0xc: {  	v3 =	vshrl.u32 v2, $0x11;
	v5 =	vshll.u32 v2, $0xF  }
0xd: {  	v2 =	vadd.s32 v4, v2;
	v3 =	vor.u32 v3, v5  }
0xe: {  	v3 =	vxor.u32 v2, v3  }
0xf: {  	v4 =	vshrl.u32 v3, $0x6;
	v5 =	vshll.u32 v3, $0x1A  }
0x10: {  	v2 =	vadd.s32 v2, v3;
	v3 =	vor.u32 v4, v5  }
0x11: {  	v3 =	vxor.u32 v2, v3  }
0x12: {  	v4 =	vshrl.u32 v3, $0x1A;
	v5 =	vshll.u32 v3, $0x6  }
0x13: {  	v2 =	vadd.s32 v2, v3;
	v3 =	vor.u32 v4, v5  }
0x14: {  	v3 =	vxor.u32 v2, v3  }
0x15: {  	v3 =	vadd.s32 $0xB5D62B04, v3  }
0x16: {  	v2 =	vadd.s32 v3, v2;
	v4 =	vshrl.u32 v3, $0xF;
	v3 =	vshll.u32 v3, $0x11  }
0x17: {  	v2 =	vadd.s32 $0xADD083F4, v2;
	v3 =	vor.u32 v4, v3  }
0x18: {  	v3 =	vxor.u32 v2, v3  }
0x19: {  	v4 =	vshrl.u32 v3, $0x3;
	v5 =	vshll.u32 v3, $0x1D  }
0x1a: {  	v2 =	vadd.s32 v2, v3;
	v3 =	vor.u32 v4, v5  }
0x1b: {  	v3 =	vxor.u32 v2, v3  }
0x1c: {  	v4 =	vshrl.u32 v3, $0x10;
	v5 =	vshll.u32 v3, $0x10  }
0x1d: {  	v2 =	vadd.s32 v2, v3;
	v3 =	vor.u32 v4, v5  }
0x1e: {  	v3 =	vxor.u32 v2, v3  }
0x1f: {  	v4 =	vshrl.u32 v3, $0x8;
	v5 =	vshll.u32 v3, $0x18  }
0x20: {  	v2 =	vadd.s32 v2, v3;
	v3 =	vor.u32 v4, v5  }
0x21: {  	s10 =	sadd.s32 $0x10, s3;
	v3 =	vxor.u32 v2, v3  }
0x22: {  	v6 =	vadd.s32 s10, v0;
	v3 =	vadd.s32 $0x3D7B32F, v3  }
0x23: {  	v2 =	vadd.s32 v3, v2;
	v5 =	vshrl.u32 v3, $0x13;
	v3 =	vshll.u32 v3, $0xD  }
0x24: {  	v4 =	vadd.s32 s10, v1;
	v2 =	vadd.s32 $0xB5D62B03, v2;
	v3 =	vor.u32 v5, v3  }
0x25: {  	v5 =	vshrl.u32 v6, $0x13;
	v6 =	vshll.u32 v6, $0xD;
	v3 =	vxor.u32 v2, v3  }
0x26: {  	v5 =	vor.u32 v5, v6;
	v6 =	vshrl.u32 v3, $0x11;
	v7 =	vshll.u32 v3, $0xF  }
0x27: {  	v5 =	vxor.u32 v4, v5;
	v2 =	vadd.s32 v2, v3;
	v3 =	vor.u32 v6, v7  }
0x28: {  	v4 =	vadd.s32 v4, v5;
	v6 =	vshrl.u32 v5, $0x11;
	v3 =	vxor.u32 v2, v3  }
0x29: {  	v5 =	vshll.u32 v5, $0xF;
	v7 =	vshrl.u32 v3, $0x6;
	v8 =	vshll.u32 v3, $0x1A  }
0x2a: {  	v5 =	vor.u32 v6, v5;
	v2 =	vadd.s32 v2, v3;
	v3 =	vor.u32 v7, v8  }
0x2b: {  	v5 =	vxor.u32 v4, v5;
	v3 =	vxor.u32 v2, v3  }
0x2c: {  	v6 =	vshrl.u32 v5, $0x6;
	v7 =	vshrl.u32 v3, $0x1A;
	v63 =	vshll.u32 v3, $0x6  }
0x2d: {  	v9 =	vshll.u32 v5, $0x1A;
	v2 =	vadd.s32 v2, v3;
	v3 =	vor.u32 v7, v63  }
0x2e: {  	v4 =	vadd.s32 v4, v5;
	v5 =	vor.u32 v6, v9;
	v3 =	vxor.u32 v2, v3  }
0x2f: {  	s8 =	simm.s32 $0x40;
	s11 =	simm.s32 $0x80;
	s9 =	simm.s32 $0x0;
	v5 =	vxor.u32 v4, v5;
	v3 =	vadd.s32 $0xADD083F7, v3  }
.LBB2_2:
0x30: {  	p0 =	sne.s32 s11, $0x1FC0;
	v2 =	vadd.s32 v3, v2;
	v6 =	vshrl.u32 v3, $0xF;
	v3 =	vshll.u32 v3, $0x11  }
0x31: {  	v4 =	vadd.s32 v4, v5;
	v2 =	vadd.s32 $0x3D7B32D, v2;
	v3 =	vor.u32 v6, v3  }
0x32: {  	v6 =	vshrl.u32 v5, $0x1A;
	v5 =	vshll.u32 v5, $0x6;
	v3 =	vxor.u32 v2, v3  }
0x33: {  	v5 =	vor.u32 v6, v5;
	v6 =	vshrl.u32 v3, $0x3;
	v7 =	vshll.u32 v3, $0x1D  }
0x34: {  	s10 =	sadd.s32 $0x10, s10;
	v5 =	vxor.u32 v4, v5;
	v2 =	vadd.s32 v2, v3;
	v3 =	vor.u32 v6, v7  }
0x35: {  	v6 =	vadd.s32 s10, v1;
	v5 =	vadd.s32 $0xB5D62B04, v5;
	v3 =	vxor.u32 v2, v3  }
0x36: {  	v4 =	vadd.s32 v5, v4;
	v7 =	vshrl.u32 v3, $0x10;
	v8 =	vshll.u32 v3, $0x10  }
0x37: {  	v9 =	vshrl.u32 v5, $0xF;
	v2 =	vadd.s32 v2, v3;
	v3 =	vor.u32 v7, v8  }
0x38: {  	v5 =	vshll.u32 v5, $0x11;
	v4 =	vadd.s32 $0xADD083F4, v4;
	v3 =	vxor.u32 v2, v3  }
0x39: {  	v5 =	vor.u32 v9, v5;
	v7 =	vshrl.u32 v3, $0x8;
	v8 =	vshll.u32 v3, $0x18  }
0x3a: {  	v5 =	vxor.u32 v4, v5;
	v2 =	vadd.s32 v2, v3;
	v3 =	vor.u32 v7, v8  }
0x3b: {  	v4 =	vadd.s32 v4, v5;
	v7 =	vadd.s32 s10, v0;
	v3 =	vxor.u32 v2, v3  }
0x3c: {  	v8 =	vshrl.u32 v5, $0x3;
	v5 =	vshll.u32 v5, $0x1D;
	v3 =	vadd.s32 $0xB5D62B07, v3  }
0x3d: {  	v2 =	vadd.s32 v3, v2;
	v9 =	vshrl.u32 v3, $0x13;
	v3 =	vshll.u32 v3, $0xD  }
0x3e: {  	v5 =	vor.u32 v8, v5;
	v2 =	vadd.s32 $0xADD083F4, v2;
	v3 =	vor.u32 v9, v3  }
0x3f: {  	v8 =	vshrl.u32 v7, $0x13;
	v5 =	vxor.u32 v4, v5;
	v3 =	vxor.u32 v2, v3  }
0x40: {  	v9 =	vshrl.u32 v5, $0x10;
	v10 =	vshrl.u32 v3, $0x11;
	v11 =	vshll.u32 v3, $0xF  }
0x41: {  	v12 =	vshll.u32 v5, $0x10;
	v2 =	vadd.s32 v2, v3;
	v3 =	vor.u32 v10, v11  }
0x42: {  	v4 =	vadd.s32 v4, v5;
	v5 =	vor.u32 v9, v12;
	v3 =	vxor.u32 v2, v3  }
0x43: {  	v5 =	vxor.u32 v4, v5;
	v9 =	vshrl.u32 v3, $0x6;
	v10 =	vshll.u32 v3, $0x1A  }
0x44: {  	v4 =	vadd.s32 v4, v5;
	v2 =	vadd.s32 v2, v3;
	v3 =	vor.u32 v9, v10  }
0x45: {  	v9 =	vshrl.u32 v5, $0x8;
	v5 =	vshll.u32 v5, $0x18;
	v3 =	vxor.u32 v2, v3  }
0x46: {  	v5 =	vor.u32 v9, v5;
	v9 =	vshrl.u32 v3, $0x1A;
	v10 =	vshll.u32 v3, $0x6  }
0x47: {  	v5 =	vxor.u32 v4, v5;
	v2 =	vadd.s32 v2, v3;
	v3 =	vor.u32 v9, v10  }
0x48: {  	v7 =	vshll.u32 v7, $0xD;
	v5 =	vadd.s32 $0x3D7B32F, v5;
	v3 =	vxor.u32 v2, v3  }
0x49: {  	v4 =	vadd.s32 v5, v4;
	v2 =	vadd.s32 $0xB5D62B03, v2;
	v3 =	vadd.s32 $0x3D7B332, v3  }
0x4a: {  	v9 =	vshrl.u32 v5, $0x13;
	v5 =	vshll.u32 v5, $0xD;
	v2 =	vxor.u32 v2, v3  }
0x4b: {  	v3 =	vadd.s32 $0xB5D62B03, v4;
	v4 =	vor.u32 v9, v5;
	v2 =	vshrl.u32 v2, $0x9  }
0x4c: {  	v5 =	vor.u32 v8, v7;
	v4 =	vxor.u32 v3, v4;
	v2 =	vcvt.s32.f32 v2  }
0x4d: {  	v5 =	vxor.u32 v6, v5;
	v7 =	vshrl.u32 v4, $0x11;
	v8 =	vshll.u32 v4, $0xF  }
0x4e: {  	v3 =	vadd.s32 v3, v4;
	v4 =	vor.u32 v7, v8;
	v2 =	vmul.f32 $1.192092900e-07, v2  }
0x4f: {  	s12 =	sshra.s32 s9, $0x2;
	s9 =	smov.u32 s8;
	s8 =	smov.u32 s11;
	v6 =	vadd.s32 v6, v5;
	v7 =	vshrl.u32 v5, $0x11;
	v4 =	vxor.u32 v3, v4  }
0x50: {  	v5 =	vshll.u32 v5, $0xF;
	v8 =	vshrl.u32 v4, $0x6;
	v9 =	vshll.u32 v4, $0x1A;
	[tilespmem:s12+$0x0] =	vst v2  }
0x51: {  	v3 =	vadd.s32 v3, v4;
	v2 =	vor.u32 v7, v5;
	v4 =	vor.u32 v8, v9  }
.Ltmp0:
0x52: {  	v5 =	vxor.u32 v6, v2;
	v2 =	vxor.u32 v3, v4;
	(pc) =	sbr.rel @p0 .LBB2_2-.Ltmp0, $4  }
0x53: {  	v7 =	vshrl.u32 v5, $0x6;
	v4 =	vshrl.u32 v2, $0x1A;
	v8 =	vshll.u32 v2, $0x6  }
0x54: {  	v9 =	vshll.u32 v5, $0x1A;
	v2 =	vadd.s32 v3, v2;
	v3 =	vor.u32 v4, v8  }
0x55: {  	v4 =	vadd.s32 v6, v5;
	v5 =	vor.u32 v7, v9;
	v3 =	vxor.u32 v2, v3  }
0x56: {  	s11 =	sadd.s32 $0x40, s11;
	v5 =	vxor.u32 v4, v5;
	v3 =	vadd.s32 $0xADD083F7, v3  }
0x57: {  	v6 =	vshrl.u32 v5, $0x1A;
	v7 =	vshll.u32 v5, $0x6  }
0x58: {  	v4 =	vadd.s32 v4, v5;
	v9 =	vor.u32 v6, v7  }
0x59: {  	v5 =	vxor.u32 v4, v9  }
0x5a: {  	v5 =	vadd.s32 $0xB5D62B04, v5  }
0x5b: {  	v4 =	vadd.s32 v5, v4;
	v10 =	vshrl.u32 v5, $0xF;
	v5 =	vshll.u32 v5, $0x11  }
0x5c: {  	v4 =	vadd.s32 $0xADD083F4, v4;
	v5 =	vor.u32 v10, v5  }
0x5d: {  	v5 =	vxor.u32 v4, v5  }
0x5e: {  	v11 =	vshrl.u32 v5, $0x3;
	v12 =	vshll.u32 v5, $0x1D  }
0x5f: {  	v4 =	vadd.s32 v4, v5;
	v13 =	vor.u32 v11, v12  }
0x60: {  	v5 =	vxor.u32 v4, v13  }
0x61: {  	v14 =	vshrl.u32 v5, $0x10;
	v15 =	vshll.u32 v5, $0x10  }
0x62: {  	v4 =	vadd.s32 v4, v5;
	v16 =	vor.u32 v14, v15  }
0x63: {  	v5 =	vxor.u32 v4, v16  }
0x64: {  	v17 =	vshrl.u32 v5, $0x8;
	v18 =	vshll.u32 v5, $0x18  }
0x65: {  	v4 =	vadd.s32 v4, v5;
	v19 =	vor.u32 v17, v18  }
0x66: {  	v5 =	vxor.u32 v4, v19  }
0x67: {  	v2 =	vadd.s32 v3, v2;
	v5 =	vadd.s32 $0x3D7B32F, v5  }
0x68: {  	v4 =	vadd.s32 v5, v4;
	v20 =	vshrl.u32 v5, $0x13;
	v5 =	vshll.u32 v5, $0xD  }
0x69: {  	v21 =	vshrl.u32 v3, $0xF;
	v4 =	vadd.s32 $0xB5D62B03, v4;
	v5 =	vor.u32 v20, v5  }
0x6a: {  	v3 =	vshll.u32 v3, $0x11;
	v2 =	vadd.s32 $0x3D7B32D, v2;
	v5 =	vxor.u32 v4, v5  }
0x6b: {  	v3 =	vor.u32 v21, v3;
	v22 =	vshrl.u32 v5, $0x11;
	v23 =	vshll.u32 v5, $0xF  }
0x6c: {  	v3 =	vxor.u32 v2, v3;
	v4 =	vadd.s32 v4, v5;
	v24 =	vor.u32 v22, v23  }
0x6d: {  	v25 =	vshrl.u32 v3, $0x3;
	v26 =	vshll.u32 v3, $0x1D;
	v5 =	vxor.u32 v4, v24  }
0x6e: {  	v2 =	vadd.s32 v2, v3;
	v3 =	vshrl.u32 v5, $0x6;
	v8 =	vshll.u32 v5, $0x1A  }
0x6f: {  	v6 =	vor.u32 v25, v26;
	v4 =	vadd.s32 v4, v5;
	v3 =	vor.u32 v3, v8  }
0x70: {  	v27 =	vxor.u32 v2, v6;
	v3 =	vxor.u32 v4, v3  }
0x71: {  	v6 =	vshrl.u32 v27, $0x10;
	v28 =	vshrl.u32 v3, $0x1A;
	v29 =	vshll.u32 v3, $0x6  }
0x72: {  	v9 =	vshll.u32 v27, $0x10;
	v3 =	vadd.s32 v4, v3;
	v30 =	vor.u32 v28, v29  }
0x73: {  	v2 =	vadd.s32 v2, v27;
	v31 =	vor.u32 v6, v9;
	v4 =	vxor.u32 v3, v30  }
0x74: {  	v5 =	vxor.u32 v2, v31;
	v4 =	vadd.s32 $0xADD083F7, v4  }
0x75: {  	v3 =	vadd.s32 v4, v3;
	v32 =	vshrl.u32 v4, $0xF;
	v4 =	vshll.u32 v4, $0x11  }
0x76: {  	v33 =	vshrl.u32 v5, $0x8;
	v3 =	vadd.s32 $0x3D7B32D, v3;
	v4 =	vor.u32 v32, v4  }
0x77: {  	v34 =	vshll.u32 v5, $0x18;
	v2 =	vadd.s32 v2, v5;
	v4 =	vxor.u32 v3, v4  }
0x78: {  	v35 =	vor.u32 v33, v34;
	v36 =	vshrl.u32 v4, $0x3;
	v37 =	vshll.u32 v4, $0x1D  }
0x79: {  	v5 =	vxor.u32 v2, v35;
	v3 =	vadd.s32 v3, v4;
	v38 =	vor.u32 v36, v37  }
0x7a: {  	v5 =	vadd.s32 $0xB5D62B07, v5;
	v4 =	vxor.u32 v3, v38  }
0x7b: {  	v2 =	vadd.s32 v5, v2;
	v39 =	vshrl.u32 v4, $0x10;
	v40 =	vshll.u32 v4, $0x10  }
0x7c: {  	v41 =	vshrl.u32 v5, $0x13;
	v3 =	vadd.s32 v3, v4;
	v42 =	vor.u32 v39, v40  }
0x7d: {  	v5 =	vshll.u32 v5, $0xD;
	v2 =	vadd.s32 $0xADD083F4, v2;
	v4 =	vxor.u32 v3, v42  }
0x7e: {  	v5 =	vor.u32 v41, v5;
	v43 =	vshrl.u32 v4, $0x8;
	v44 =	vshll.u32 v4, $0x18  }
0x7f: {  	v5 =	vxor.u32 v2, v5;
	v3 =	vadd.s32 v3, v4;
	v45 =	vor.u32 v43, v44  }
0x80: {  	v46 =	vshrl.u32 v5, $0x11;
	v4 =	vxor.u32 v3, v45  }
0x81: {  	v47 =	vshll.u32 v5, $0xF;
	v2 =	vadd.s32 v2, v5;
	v4 =	vadd.s32 $0xB5D62B07, v4  }
0x82: {  	v3 =	vadd.s32 v4, v3;
	v48 =	vshrl.u32 v4, $0x13;
	v4 =	vshll.u32 v4, $0xD  }
0x83: {  	v6 =	vor.u32 v46, v47;
	v3 =	vadd.s32 $0xADD083F4, v3;
	v4 =	vor.u32 v48, v4  }
0x84: {  	v49 =	vxor.u32 v2, v6;
	v4 =	vxor.u32 v3, v4  }
0x85: {  	v6 =	vshrl.u32 v49, $0x6;
	v50 =	vshrl.u32 v4, $0x11;
	v51 =	vshll.u32 v4, $0xF  }
0x86: {  	v52 =	vshll.u32 v49, $0x1A;
	v3 =	vadd.s32 v3, v4;
	v53 =	vor.u32 v50, v51  }
0x87: {  	v2 =	vadd.s32 v2, v49;
	v54 =	vor.u32 v6, v52;
	v4 =	vxor.u32 v3, v53  }
0x88: {  	v5 =	vxor.u32 v2, v54;
	v55 =	vshrl.u32 v4, $0x6;
	v56 =	vshll.u32 v4, $0x1A  }
0x89: {  	v57 =	vshrl.u32 v5, $0x1A;
	v3 =	vadd.s32 v3, v4;
	v58 =	vor.u32 v55, v56  }
0x8a: {  	v59 =	vshll.u32 v5, $0x6;
	v2 =	vadd.s32 v2, v5;
	v4 =	vxor.u32 v3, v58  }
0x8b: {  	v60 =	vor.u32 v57, v59;
	v61 =	vshrl.u32 v4, $0x1A;
	v62 =	vshll.u32 v4, $0x6  }
0x8c: {  	v5 =	vxor.u32 v2, v60;
	v3 =	vadd.s32 v3, v4;
	v63 =	vor.u32 v61, v62  }
0x8d: {  	v2 =	vadd.s32 $0xB5D62B03, v2;
	v5 =	vadd.s32 $0x3D7B332, v5;
	v4 =	vxor.u32 v3, v63  }
0x8e: {  	v2 =	vxor.u32 v2, v5;
	v3 =	vadd.s32 $0xB5D62B03, v3;
	v4 =	vadd.s32 $0x3D7B332, v4  }
0x8f: {  	v2 =	vshrl.u32 v2, $0x9;
	v3 =	vxor.u32 v3, v4  }
0x90: {  	v2 =	vcvt.s32.f32 v2;
	v3 =	vshrl.u32 v3, $0x9  }
0x91: {  	v3 =	vcvt.s32.f32 v3  }
0x92: {  	v2 =	vmul.f32 $1.192092900e-07, v2  }
0x93: {  	s9 =	sshra.s32 s9, $0x2;
	s7 =	sadd.s32 $0x1, s7;
	v3 =	vmul.f32 $1.192092900e-07, v3  }
0x94: {  	s8 =	sshra.s32 s8, $0x2;
	p0 =	sne.s32 s7, s5;
	[tilespmem:s9+$0x0] =	vst v2  }
.Ltmp1:
0x95: {  	[tilespmem:s8+$0x0] =	vst v3;
	(pc) =	sbr.rel @p0 .LBB2_1-.Ltmp1, $4  }
0x96: {  	[hbm4b:s4+s2] =	stream.linear.scatter [tilespmem:s2], [sflag:$0x1], $0x800, $0x38;
	[tilespmem:$0x800] =	vst v63  }
0x97: {  	_ =	swait.ge [sflag:s6], $0x800  }
0x98: {  	[sflag:s6] =	ssyncset.done $0x0  }
0x99: {  	[sflag:s6] =	ssyncadd.s32 $0xFFFFF800  }
0x9a: {  	_ =	sfence.sel $0x180000  }
0x9b: {  	[bflag:$0x0] =	sbarrier.arrive $0xFFFF  }
0x9c: {  	p0 =	sne.s32 s1, $0x0;
	_ =	strace $0x90000047  }
0x9d: {  	s0 =	sadd.s32 @!p0 $0x100000, s0;
	[bflag:$0x2] =	sbarrier.arrive $0xFFFF  }
0x9e: {  	[sflag:s0] =	ssyncadd.tile.s32 @!p0 $0x1;
	_ =	shalt  }
.Lfunc_end2:
_tile_overlayer_lowered:
.L_overlay_start_2:
0x9f: {  	(tag) =	ssettag $0x2  }
0xa0: {  	s0 =	rddreg [dreg:$0x0];
	s2 =	stileid.u32  }
0xa1: {  	s1 =	rddreg [dreg:$0x1];
	p0 =	sne.s32 s2, $0x0  }
0xa2: {  	s3 =	rddreg [dreg:$0x2];
	[bflag:$0x3] =	sbarrier.arrive $0xFFFF;
	s2 =	simm.s32 @!p0 $0x1C01  }
0xa3: {  	[timem:s3], [sflag:s2] =	dma.local @!p0 [hbm:s0], s1  }
0xa4: {  	s0 =	simm.s32 @!p0 $0x1  }
0xa5: {  	_ =	swait.ge @!p0 [sflag:s0], s1  }
0xa6: {  	s1 =	ssub.s32 @!p0 $0x0, s1;
	[sflag:s0] =	ssyncset.done @!p0 $0x0  }
0xa7: {  	[sflag:s0] =	ssyncadd.s32 @!p0 s1  }
0xa8: {  	[bflag:$0x3] =	sbarrier.arrive $0xFFFF  }
0xa9: {  	_ =	shalt  }

</sc_bundles>
